<compile_context>
chip_gen: v7x
topology: tpu7x:2x2x1
jax: 0.10.2.dev20260603
libtpu: 0.0.44.dev20260713+nightly
codegen_flags: <defaults>
</compile_context>

<pallas_src>
import jax
import jax.numpy as jnp
from jax import lax
from jax.experimental import pallas as pl
from jax.experimental.pallas import tpu as pltpu
from jax.experimental.pallas import tpu_sc as plsc

N = 2048
D = 1024
NH = 16
HD = 64
E = 8
TOPK = 2
HID = 1024
TM = 256
P = 6144
NT = P // TM
NEG = -1e30



def _k1_body(x_ref, s_ref, b_ref, w_ref, out_ref):
    x = x_ref[...]
    mean = jnp.mean(x, axis=-1, keepdims=True)
    var = jnp.mean((x - mean) ** 2, axis=-1, keepdims=True)
    h = (x - mean) * jax.lax.rsqrt(var + 1e-5) * s_ref[...] + b_ref[...]
    out_ref[...] = jnp.dot(h, w_ref[...], preferred_element_type=jnp.float32)


def _k1(x, ln1_s, ln1_b, qkv_w):
    return pl.pallas_call(
        _k1_body,
        grid=(3, 4),
        in_specs=[
            pl.BlockSpec((512, D), lambda j, i: (i, 0)),
            pl.BlockSpec((1, D), lambda j, i: (0, 0)),
            pl.BlockSpec((1, D), lambda j, i: (0, 0)),
            pl.BlockSpec((D, 1024), lambda j, i: (0, j)),
        ],
        out_specs=pl.BlockSpec((512, 1024), lambda j, i: (i, j)),
        out_shape=jax.ShapeDtypeStruct((N, 3 * D), jnp.float32),
    )(x, ln1_s.reshape(1, D), ln1_b.reshape(1, D), qkv_w)



def _k2_body(q_ref, k_ref, v_ref, o_ref):
    scale = HD ** -0.5
    for h in range(2):
        sl = slice(h * HD, (h + 1) * HD)
        q = q_ref[:, sl]
        k = k_ref[:, sl]
        v = v_ref[:, sl]
        s = lax.dot_general(q, k, (((1,), (1,)), ((), ())),
                            preferred_element_type=jnp.float32) * scale
        e = jnp.exp(s)
        r = 1.0 / jnp.sum(e, axis=-1, keepdims=True)
        o_ref[:, sl] = jnp.dot(e, v, preferred_element_type=jnp.float32) * r


def _k2(qkv):
    return pl.pallas_call(
        _k2_body,
        grid=(8, 4),
        in_specs=[
            pl.BlockSpec((512, 128), lambda p, t: (t, p)),
            pl.BlockSpec((N, 128), lambda p, t: (0, 8 + p)),
            pl.BlockSpec((N, 128), lambda p, t: (0, 16 + p)),
        ],
        out_specs=pl.BlockSpec((512, 128), lambda p, t: (t, p)),
        out_shape=jax.ShapeDtypeStruct((N, D), jnp.float32),
    )(qkv, qkv, qkv)



def _k3_body(o_ref, x_ref, pw_ref, pb_ref, s_ref, b_ref, gw_ref,
             x1_ref, t_ref, e0_ref, e1_ref, p0_ref, p1_ref, imp_ref, load_ref,
             r0_ref, r1_ref, cnt_ref):
    i = pl.program_id(0)
    x1 = x_ref[...] + jnp.dot(o_ref[...], pw_ref[...],
                              preferred_element_type=jnp.float32) + pb_ref[...]
    x1_ref[...] = x1
    mean = jnp.mean(x1, axis=-1, keepdims=True)
    var = jnp.mean((x1 - mean) ** 2, axis=-1, keepdims=True)
    t = (x1 - mean) * jax.lax.rsqrt(var + 1e-5) * s_ref[...] + b_ref[...]
    t_ref[...] = t
    logits = jnp.dot(t, gw_ref[...], preferred_element_type=jnp.float32)
    lane = lax.broadcasted_iota(jnp.int32, logits.shape, 1)
    v = jnp.where(lane < E, logits, NEG)
    m1 = jnp.max(v, axis=-1, keepdims=True)
    e0 = jnp.min(jnp.where(v == m1, lane, 128), axis=-1, keepdims=True)
    v2 = jnp.where(lane == e0, NEG, v)
    m2 = jnp.max(v2, axis=-1, keepdims=True)
    e1 = jnp.min(jnp.where(v2 == m2, lane, 128), axis=-1, keepdims=True)
    bexp = jnp.exp(m2 - m1)
    p0 = 1.0 / (1.0 + bexp)
    p1 = bexp / (1.0 + bexp)
    e0_ref[...] = e0.reshape(1, 256, 1)
    e1_ref[...] = e1.reshape(1, 256, 1)
    p0_ref[...] = p0.reshape(1, 256, 1)
    p1_ref[...] = p1.reshape(1, 256, 1)
    oh0 = jnp.where(lane == e0, 1.0, 0.0)
    oh1 = jnp.where(lane == e1, 1.0, 0.0)
    imp = jnp.sum(oh0 * p0 + oh1 * p1, axis=0, keepdims=True)
    ld = jnp.sum(oh0 * jnp.where(p0 > 0, 1.0, 0.0)
                 + oh1 * jnp.where(p1 > 0, 1.0, 0.0), axis=0, keepdims=True)

    @pl.when(i == 0)
    def _():
        imp_ref[...] = jnp.zeros_like(imp_ref)
        load_ref[...] = jnp.zeros_like(load_ref)
        cnt_ref[...] = jnp.zeros_like(cnt_ref)

    imp_ref[...] += imp
    load_ref[...] += ld
    carry = cnt_ref[...].astype(jnp.float32)
    oh = jnp.concatenate([oh0, oh1], axis=0)
    r_i = lax.broadcasted_iota(jnp.int32, (512, 512), 0)
    c_i = lax.broadcasted_iota(jnp.int32, (512, 512), 1)
    tri = jnp.where(r_i > c_i, 1.0, 0.0)
    cum_excl = jnp.dot(tri, oh, preferred_element_type=jnp.float32)
    rank = jnp.sum((cum_excl + carry) * oh, axis=-1, keepdims=True)
    r0_ref[...] = rank[:256].astype(jnp.int32).reshape(1, 256, 1)
    r1_ref[...] = rank[256:].astype(jnp.int32).reshape(1, 256, 1)
    cnt_ref[...] += jnp.sum(oh, axis=0, keepdims=True).astype(jnp.int32)


def _k3(o, x, proj_w, proj_b, ln2_s, ln2_b, gate_w):
    gw = jnp.pad(gate_w, ((0, 0), (0, 128 - E)))
    return pl.pallas_call(
        _k3_body,
        grid=(8,),
        in_specs=[
            pl.BlockSpec((256, D), lambda i: (i, 0)),
            pl.BlockSpec((256, D), lambda i: (i, 0)),
            pl.BlockSpec((D, D), lambda i: (0, 0)),
            pl.BlockSpec((1, D), lambda i: (0, 0)),
            pl.BlockSpec((1, D), lambda i: (0, 0)),
            pl.BlockSpec((1, D), lambda i: (0, 0)),
            pl.BlockSpec((D, 128), lambda i: (0, 0)),
        ],
        out_specs=[
            pl.BlockSpec((256, D), lambda i: (i, 0)),
            pl.BlockSpec((256, D), lambda i: (i, 0)),
            pl.BlockSpec((1, 256, 1), lambda i: (i, 0, 0)),
            pl.BlockSpec((1, 256, 1), lambda i: (i, 0, 0)),
            pl.BlockSpec((1, 256, 1), lambda i: (i, 0, 0)),
            pl.BlockSpec((1, 256, 1), lambda i: (i, 0, 0)),
            pl.BlockSpec((1, 128), lambda i: (0, 0)),
            pl.BlockSpec((1, 128), lambda i: (0, 0)),
            pl.BlockSpec((1, 256, 1), lambda i: (i, 0, 0)),
            pl.BlockSpec((1, 256, 1), lambda i: (i, 0, 0)),
            pl.BlockSpec((1, 128), lambda i: (0, 0)),
        ],
        out_shape=[
            jax.ShapeDtypeStruct((N, D), jnp.float32),
            jax.ShapeDtypeStruct((N, D), jnp.float32),
            jax.ShapeDtypeStruct((8, 256, 1), jnp.int32),
            jax.ShapeDtypeStruct((8, 256, 1), jnp.int32),
            jax.ShapeDtypeStruct((8, 256, 1), jnp.float32),
            jax.ShapeDtypeStruct((8, 256, 1), jnp.float32),
            jax.ShapeDtypeStruct((1, 128), jnp.float32),
            jax.ShapeDtypeStruct((1, 128), jnp.float32),
            jax.ShapeDtypeStruct((8, 256, 1), jnp.int32),
            jax.ShapeDtypeStruct((8, 256, 1), jnp.int32),
            jax.ShapeDtypeStruct((1, 128), jnp.int32),
        ],
    )(o, x, proj_w, proj_b.reshape(1, D), ln2_s.reshape(1, D),
      ln2_b.reshape(1, D), gw)



def _k3b_body(cnt_ref, e0_ref, e1_ref, r0_ref, r1_ref,
              d0_ref, d1_ref, texp_ref, meta_ref):
    i = pl.program_id(0)
    counts = cnt_ref[...]
    padf = (((counts + (TM - 1)) >> 8) << 8).astype(jnp.float32)
    r_i = lax.broadcasted_iota(jnp.int32, (128, 128), 0)
    c_i = lax.broadcasted_iota(jnp.int32, (128, 128), 1)
    tril = jnp.where(r_i < c_i, 1.0, 0.0)
    pstart = jnp.dot(padf, tril,
                     preferred_element_type=jnp.float32)
    e0 = e0_ref[...].reshape(256, 1)
    e1 = e1_ref[...].reshape(256, 1)
    lane = lax.broadcasted_iota(jnp.int32, (256, 128), 1)
    s0 = jnp.sum(jnp.where(lane == e0, pstart, 0.0), axis=-1, keepdims=True)
    s1 = jnp.sum(jnp.where(lane == e1, pstart, 0.0), axis=-1, keepdims=True)
    d0_ref[...] = (r0_ref[...].reshape(256, 1)
                   + s0.astype(jnp.int32)).reshape(1, 256, 1)
    d1_ref[...] = (r1_ref[...].reshape(256, 1)
                   + s1.astype(jnp.int32)).reshape(1, 256, 1)

    @pl.when(i == 0)
    def _():
        lanev = lax.broadcasted_iota(jnp.int32, (1, 128), 1)
        nv = jnp.sum(padf) * (1.0 / TM)
        last_e = jnp.max(jnp.where(counts > 0, lanev, 0))
        tile_row = (r_i * TM).astype(jnp.float32)
        pstart_b = jnp.broadcast_to(pstart, (128, 128))
        pend_b = pstart_b + jnp.broadcast_to(padf, (128, 128))
        inm = jnp.where((tile_row >= pstart_b) & (tile_row < pend_b), 1.0, 0.0)
        texp = jnp.sum(inm * c_i.astype(jnp.float32), axis=-1, keepdims=True)
        tcol = lax.broadcasted_iota(jnp.int32, (128, 1), 0).astype(jnp.float32)
        texp = jnp.where(tcol >= nv, last_e.astype(jnp.float32), texp)
        texp_ref[...] = texp.astype(jnp.int32)
        meta_ref[...] = jnp.where(lanev == 0, nv.astype(jnp.int32), 0)


def _k3b(cnt, e0c, e1c, r0c, r1c):
    return pl.pallas_call(
        _k3b_body,
        grid=(8,),
        in_specs=[
            pl.BlockSpec((1, 128), lambda i: (0, 0)),
            pl.BlockSpec((1, 256, 1), lambda i: (i, 0, 0)),
            pl.BlockSpec((1, 256, 1), lambda i: (i, 0, 0)),
            pl.BlockSpec((1, 256, 1), lambda i: (i, 0, 0)),
            pl.BlockSpec((1, 256, 1), lambda i: (i, 0, 0)),
        ],
        out_specs=[
            pl.BlockSpec((1, 256, 1), lambda i: (i, 0, 0)),
            pl.BlockSpec((1, 256, 1), lambda i: (i, 0, 0)),
            pl.BlockSpec((128, 1), lambda i: (0, 0)),
            pl.BlockSpec((1, 128), lambda i: (0, 0)),
        ],
        out_shape=[
            jax.ShapeDtypeStruct((8, 256, 1), jnp.int32),
            jax.ShapeDtypeStruct((8, 256, 1), jnp.int32),
            jax.ShapeDtypeStruct((128, 1), jnp.int32),
            jax.ShapeDtypeStruct((1, 128), jnp.int32),
        ],
    )(cnt, e0c, e1c, r0c, r1c)



def _mesh():
    return plsc.VectorSubcoreMesh(core_axis_name="c", subcore_axis_name="s")


def _k4_body(d0_hbm, d1_hbm, t_hbm, xg_hbm, idx0v, idx1v, rowsv, sem):
    wid = lax.axis_index("s") * 2 + lax.axis_index("c")
    base = wid * 64
    cr = pltpu.async_copy(t_hbm.at[pl.ds(base, 64)], rowsv, sem)
    pltpu.sync_copy(d0_hbm.at[pl.ds(base, 64)], idx0v)
    pltpu.sync_copy(d1_hbm.at[pl.ds(base, 64)], idx1v)
    cr.wait()
    c0 = pltpu.async_copy(rowsv, xg_hbm.at[idx0v], sem)
    c1 = pltpu.async_copy(rowsv, xg_hbm.at[idx1v], sem)
    c0.wait()
    c1.wait()


def _k4(d0, d1, t):
    return pl.kernel(
        _k4_body,
        out_type=jax.ShapeDtypeStruct((P, D), jnp.float32),
        mesh=_mesh(),
        scratch_types=[
            pltpu.VMEM((64,), jnp.int32),
            pltpu.VMEM((64,), jnp.int32),
            pltpu.VMEM((64, D), jnp.float32),
            pltpu.SemaphoreType.DMA,
        ],
    )(d0, d1, t)



def _k5_body(texp_ref, meta_ref, xg_ref, w1_ref, b1_ref, w2_ref, b2_ref, yg_ref):
    i = pl.program_id(0)

    @pl.when(i < meta_ref[0])
    def _():
        xb = xg_ref[...].astype(jnp.bfloat16)
        h = jnp.dot(xb, w1_ref[0].astype(jnp.bfloat16),
                    preferred_element_type=jnp.float32) + b1_ref[0]
        hb = jax.nn.gelu(h).astype(jnp.bfloat16)
        yg_ref[...] = jnp.dot(hb, w2_ref[0].astype(jnp.bfloat16),
                              preferred_element_type=jnp.float32) + b2_ref[0]


def _k5(texp, meta, xg, w1, b1, w2, b2):
    def xg_idx(i, texp_ref, meta_ref):
        return (jnp.minimum(i, meta_ref[0] - 1), 0)

    def w_idx(i, texp_ref, meta_ref):
        return (texp_ref[jnp.minimum(i, meta_ref[0] - 1)], 0, 0)

    return pl.pallas_call(
        _k5_body,
        grid_spec=pltpu.PrefetchScalarGridSpec(
            num_scalar_prefetch=2,
            grid=(NT,),
            in_specs=[
                pl.BlockSpec((TM, D), xg_idx),
                pl.BlockSpec((1, D, HID), w_idx),
                pl.BlockSpec((1, 1, HID), w_idx),
                pl.BlockSpec((1, HID, D), w_idx),
                pl.BlockSpec((1, 1, D), w_idx),
            ],
            out_specs=pl.BlockSpec((TM, D), xg_idx),
        ),
        out_shape=jax.ShapeDtypeStruct((P, D), jnp.float32),
    )(texp, meta, xg, w1, b1.reshape(E, 1, HID), w2, b2.reshape(E, 1, D))



def _k6_body(d0_hbm, d1_hbm, yg_hbm, g0_hbm, g1_hbm,
             idx0v, idx1v, rows0v, rows1v, sem):
    wid = lax.axis_index("s") * 2 + lax.axis_index("c")
    base = wid * 64
    pltpu.sync_copy(d0_hbm.at[pl.ds(base, 64)], idx0v)
    pltpu.sync_copy(d1_hbm.at[pl.ds(base, 64)], idx1v)
    for ch in range(2):
        cb = base + ch * 32
        c0 = pltpu.async_copy(yg_hbm.at[idx0v.at[pl.ds(ch * 32, 32)]],
                              rows0v, sem)
        c1 = pltpu.async_copy(yg_hbm.at[idx1v.at[pl.ds(ch * 32, 32)]],
                              rows1v, sem)
        c0.wait()
        pltpu.sync_copy(rows0v, g0_hbm.at[pl.ds(cb, 32)])
        c1.wait()
        pltpu.sync_copy(rows1v, g1_hbm.at[pl.ds(cb, 32)])


def _k6(d0, d1, yg):
    return pl.kernel(
        _k6_body,
        out_type=[
            jax.ShapeDtypeStruct((N, D), jnp.float32),
            jax.ShapeDtypeStruct((N, D), jnp.float32),
        ],
        mesh=_mesh(),
        scratch_types=[
            pltpu.VMEM((64,), jnp.int32),
            pltpu.VMEM((64,), jnp.int32),
            pltpu.VMEM((32, D), jnp.float32),
            pltpu.VMEM((32, D), jnp.float32),
            pltpu.SemaphoreType.DMA,
        ],
    )(d0, d1, yg)



def _k7_body(x1_ref, g0_ref, g1_ref, p0_ref, p1_ref, out_ref):
    p0 = p0_ref[...].reshape(256, 1)
    p1 = p1_ref[...].reshape(256, 1)
    out_ref[...] = x1_ref[...] + p0 * g0_ref[...] + p1 * g1_ref[...]


def _k7(x1, g0, g1, p0c, p1c):
    return pl.pallas_call(
        _k7_body,
        grid=(8,),
        in_specs=[
            pl.BlockSpec((256, D), lambda i: (i, 0)),
            pl.BlockSpec((256, D), lambda i: (i, 0)),
            pl.BlockSpec((256, D), lambda i: (i, 0)),
            pl.BlockSpec((1, 256, 1), lambda i: (i, 0, 0)),
            pl.BlockSpec((1, 256, 1), lambda i: (i, 0, 0)),
        ],
        out_specs=pl.BlockSpec((256, D), lambda i: (i, 0)),
        out_shape=jax.ShapeDtypeStruct((N, D), jnp.float32),
    )(x1, g0, g1, p0c, p1c)


def kernel(x, ln1_scale, ln1_bias, qkv_w, proj_w, proj_b,
           ln2_scale, ln2_bias, gate_w, w1, b1, w2, b2):
    x2 = x.reshape(N, D)
    qkv = _k1(x2, ln1_scale, ln1_bias, qkv_w)
    o = _k2(qkv)
    x1, t, e0c, e1c, p0c, p1c, imp, load, r0c, r1c, cnt = _k3(
        o, x2, proj_w, proj_b, ln2_scale, ln2_bias, gate_w)
    d0c, d1c, texpc, metac = _k3b(cnt, e0c, e1c, r0c, r1c)
    d0 = d0c.reshape(N)
    d1 = d1c.reshape(N)
    texp = texpc.reshape(128)
    meta = metac.reshape(128)
    xg = _k4(d0, d1, t)
    yg = _k5(texp, meta, xg, w1, b1, w2, b2)
    g0, g1 = _k6(d0, d1, yg)
    xo = _k7(x1, g0, g1, p0c, p1c)
    return xo.reshape(1, N, D), imp[0, :E], load[0, :E]

# --- scband reference (transcript-rebuilt; emitter-appended) ---
"""Pipeline reference for scband-block-67611375173664 (READ-ONLY COPY).

The authoritative reference and input builder live on the scoring server;
editing this copy changes nothing except your own understanding.
"""

import jax, jax.numpy as jnp
import numpy as np

B, N, D = 1, 2048, 1024
NH = 16
E = 8
K = 2
HID = 1024  # moe_mlp_ratio=1.0 -> d_hidden = dim


def _layernorm(x, scale, bias, eps=1e-5):
    mean = jnp.mean(x, axis=-1, keepdims=True)
    var = jnp.mean((x - mean) ** 2, axis=-1, keepdims=True)
    return (x - mean) / jnp.sqrt(var + eps) * scale + bias


def setup_inputs(seed: int = 0) -> dict:
    key = jax.random.key(seed)
    ks = jax.random.split(key, 12)
    inp = {}
    inp["x"] = jax.random.normal(ks[0], (B, N, D), dtype=jnp.float32)
    inp["ln1_scale"] = jnp.ones((D,), jnp.float32)
    inp["ln1_bias"] = jnp.zeros((D,), jnp.float32)
    inp["qkv_w"] = jax.random.normal(ks[1], (D, 3 * D), jnp.float32) * 0.02
    inp["proj_w"] = jax.random.normal(ks[2], (D, D), jnp.float32) * 0.02
    inp["proj_b"] = jnp.zeros((D,), jnp.float32)
    inp["ln2_scale"] = jnp.ones((D,), jnp.float32)
    inp["ln2_bias"] = jnp.zeros((D,), jnp.float32)
    inp["gate_w"] = jax.random.normal(ks[3], (D, E), jnp.float32) * 0.02
    inp["w1"] = jax.random.normal(ks[4], (E, D, HID), jnp.float32) * 0.02
    inp["b1"] = jnp.zeros((E, HID), jnp.float32)
    inp["w2"] = jax.random.normal(ks[5], (E, HID, D), jnp.float32) * 0.02
    inp["b2"] = jnp.zeros((E, D), jnp.float32)
    return inp


def reference(x, ln1_scale, ln1_bias, qkv_w, proj_w, proj_b, ln2_scale, ln2_bias, gate_w, w1, b1, w2, b2):
    b, n, c = x.shape
    hd = c // NH
    scale = hd ** -0.5
    # --- attention branch ---
    h = _layernorm(x, ln1_scale, ln1_bias)
    qkv = (h @ qkv_w).reshape(b, n, 3, NH, hd)
    qkv = jnp.transpose(qkv, (2, 0, 3, 1, 4))  # [3, B, NH, N, hd]
    q, k, v = qkv[0], qkv[1], qkv[2]
    attn = jnp.einsum('bhqd,bhkd->bhqk', q, k) * scale
    attn = jax.nn.softmax(attn, axis=-1)
    o = jnp.einsum('bhqk,bhkd->bhqd', attn, v)
    o = jnp.transpose(o, (0, 2, 1, 3)).reshape(b, n, c)
    o = o @ proj_w + proj_b
    x = x + o
    # --- MoE MLP branch with noisy-topk (eval: noise off) gating ---
    h2 = _layernorm(x, ln2_scale, ln2_bias)
    t = h2.reshape(-1, c)  # [T, D]
    T = t.shape[0]
    clean_logits = t @ gate_w  # [T, E]
    top_vals, top_idx = jax.lax.top_k(clean_logits, K)
    gate_probs = jax.nn.softmax(top_vals, axis=-1)
    gates = jnp.zeros((T, E), jnp.float32).at[jnp.arange(T)[:, None], top_idx].set(gate_probs)
    # expert FFNs (dense compute, weighted combine == faithful MoE math)
    hid = jax.nn.gelu(jnp.einsum('td,edh->teh', t, w1) + b1[None, :, :])
    yexp = jnp.einsum('teh,ehd->ted', hid, w2) + b2[None, :, :]
    moe_out = jnp.einsum('te,ted->td', gates, yexp)
    x = x + moe_out.reshape(b, n, c)
    importance = gates.sum(0)
    load = (gates > 0).sum(0).astype(jnp.float32)
    return x, importance, load

if __name__ == "__main__":
    import jax
    _d = setup_inputs()
    print(jax.jit(kernel)(*tuple(_d.values())))

</pallas_src>

<mosaic_0001>
#map = affine_map<(d0, d1) -> (0)>
#map1 = affine_map<(d0, d1) -> (0, 0)>
module attributes {stable_mosaic.version = 14 : i64} {
  func.func @_k6_body(%arg0: i32, %arg1: i32, %arg2: memref<2048xi32, #tpu.memory_space<hbm>>, %arg3: memref<2048xi32, #tpu.memory_space<hbm>>, %arg4: memref<6144x1024xf32, #tpu.memory_space<hbm>>, %arg5: memref<2048x1024xf32, #tpu.memory_space<hbm>>, %arg6: memref<2048x1024xf32, #tpu.memory_space<hbm>>, %arg7: memref<64xi32, #tpu.memory_space<vmem>>, %arg8: memref<64xi32, #tpu.memory_space<vmem>>, %arg9: memref<32x1024xf32, #tpu.memory_space<vmem>>, %arg10: memref<32x1024xf32, #tpu.memory_space<vmem>>, %arg11: memref<!tpu.dma_semaphore, #tpu.memory_space<semaphore_mem>>) attributes {dimension_semantics = [#tpu.dimension_semantics<core_parallel>, #tpu.dimension_semantics<subcore_parallel>], iteration_bounds = array<i64: 2, 16>, scalar_prefetch = 0 : i64, scratch_operands = 5 : i64, tpu.core_type = #tpu.core_type<sc_vector_subcore>, window_params = [{transform_indices = #map}, {transform_indices = #map}, {transform_indices = #map1}, {transform_indices = #map1}, {transform_indices = #map1}]} {
    %mul3A = arith.constant 2 : i32
    %mul3A_0 = arith.muli %arg1, %mul3A : i32
    %add3A = arith.addi %mul3A_0, %arg0 : i32
    %mul3A_1 = arith.constant 64 : i32
    %mul3A_2 = arith.muli %add3A, %mul3A_1 : i32
    "tpu.region"() ({
      %run_scoped3A = tpu.sem_alloc : memref<!tpu.dma_semaphore, #tpu.memory_space<semaphore_mem>>
      %dma_start3A_45 = tpu.memref_slice %arg2[%mul3A_2] : memref<2048xi32, #tpu.memory_space<hbm>> -> memref<64xi32, #tpu.memory_space<hbm>>
      %dma_start3A_46 = tpu.memref_slice %arg2[%mul3A_2] : memref<2048xi32, #tpu.memory_space<hbm>> -> memref<64xi32, #tpu.memory_space<hbm>>
      tpu.enqueue_dma source(%dma_start3A_46 : memref<64xi32, #tpu.memory_space<hbm>>) target(%arg7 : memref<64xi32, #tpu.memory_space<vmem>>) target_semaphore(%run_scoped3A : memref<!tpu.dma_semaphore, #tpu.memory_space<semaphore_mem>>)
      %dma_wait3A_47 = tpu.memref_slice %arg2[%mul3A_2] : memref<2048xi32, #tpu.memory_space<hbm>> -> memref<64xi32, #tpu.memory_space<hbm>>
      %dma_wait3A_48 = tpu.memref_slice %arg2[%mul3A_2] : memref<2048xi32, #tpu.memory_space<hbm>> -> memref<64xi32, #tpu.memory_space<hbm>>
      tpu.wait_dma2 semaphore(%run_scoped3A : memref<!tpu.dma_semaphore, #tpu.memory_space<semaphore_mem>>) src(%dma_wait3A_48 : memref<64xi32, #tpu.memory_space<hbm>>) dst(%arg7 : memref<64xi32, #tpu.memory_space<vmem>>)
      tpu.yield
    }) : () -> ()
    "tpu.region"() ({
      %run_scoped3A = tpu.sem_alloc : memref<!tpu.dma_semaphore, #tpu.memory_space<semaphore_mem>>
      %dma_start3A_45 = tpu.memref_slice %arg3[%mul3A_2] : memref<2048xi32, #tpu.memory_space<hbm>> -> memref<64xi32, #tpu.memory_space<hbm>>
      %dma_start3A_46 = tpu.memref_slice %arg3[%mul3A_2] : memref<2048xi32, #tpu.memory_space<hbm>> -> memref<64xi32, #tpu.memory_space<hbm>>
      tpu.enqueue_dma source(%dma_start3A_46 : memref<64xi32, #tpu.memory_space<hbm>>) target(%arg8 : memref<64xi32, #tpu.memory_space<vmem>>) target_semaphore(%run_scoped3A : memref<!tpu.dma_semaphore, #tpu.memory_space<semaphore_mem>>)
      %dma_wait3A_47 = tpu.memref_slice %arg3[%mul3A_2] : memref<2048xi32, #tpu.memory_space<hbm>> -> memref<64xi32, #tpu.memory_space<hbm>>
      %dma_wait3A_48 = tpu.memref_slice %arg3[%mul3A_2] : memref<2048xi32, #tpu.memory_space<hbm>> -> memref<64xi32, #tpu.memory_space<hbm>>
      tpu.wait_dma2 semaphore(%run_scoped3A : memref<!tpu.dma_semaphore, #tpu.memory_space<semaphore_mem>>) src(%dma_wait3A_48 : memref<64xi32, #tpu.memory_space<hbm>>) dst(%arg8 : memref<64xi32, #tpu.memory_space<vmem>>)
      tpu.yield
    }) : () -> ()
    %add3A_3 = arith.constant 0 : i32
    %add3A_4 = arith.addi %mul3A_2, %add3A_3 : i32
    %dma_start3A = arith.constant 0 : i32
    %dma_start3A_5 = tpu.memref_slice %arg7[%dma_start3A] : memref<64xi32, #tpu.memory_space<vmem>> -> memref<32xi32, #tpu.memory_space<vmem>>
    %dma_start3A_6 = arith.constant 0 : i32
    %dma_start3A_7 = arith.constant 0 : i32
    %dma_start3A_8 = tpu.memref_slice %arg4[%dma_start3A_6, %dma_start3A_7] : memref<6144x1024xf32, #tpu.memory_space<hbm>> -> memref<6144x1024xf32, #tpu.memory_space<hbm>>
    tpu.enqueue_indirect_dma source(%dma_start3A_8 : memref<6144x1024xf32, #tpu.memory_space<hbm>>) target(%arg9 : memref<32x1024xf32, #tpu.memory_space<vmem>>) offsets(%dma_start3A_5 : memref<32xi32, #tpu.memory_space<vmem>>) semaphore(%arg11 : memref<!tpu.dma_semaphore, #tpu.memory_space<semaphore_mem>>)
    %dma_start3A_9 = arith.constant 0 : i32
    %dma_start3A_10 = tpu.memref_slice %arg8[%dma_start3A_9] : memref<64xi32, #tpu.memory_space<vmem>> -> memref<32xi32, #tpu.memory_space<vmem>>
    %dma_start3A_11 = arith.constant 0 : i32
    %dma_start3A_12 = arith.constant 0 : i32
    %dma_start3A_13 = tpu.memref_slice %arg4[%dma_start3A_11, %dma_start3A_12] : memref<6144x1024xf32, #tpu.memory_space<hbm>> -> memref<6144x1024xf32, #tpu.memory_space<hbm>>
    tpu.enqueue_indirect_dma source(%dma_start3A_13 : memref<6144x1024xf32, #tpu.memory_space<hbm>>) target(%arg10 : memref<32x1024xf32, #tpu.memory_space<vmem>>) offsets(%dma_start3A_10 : memref<32xi32, #tpu.memory_space<vmem>>) semaphore(%arg11 : memref<!tpu.dma_semaphore, #tpu.memory_space<semaphore_mem>>)
    %dma_wait3A = arith.constant 0 : i32
    %dma_wait3A_14 = tpu.memref_slice %arg7[%dma_wait3A] : memref<64xi32, #tpu.memory_space<vmem>> -> memref<32xi32, #tpu.memory_space<vmem>>
    %dma_wait3A_15 = arith.constant 0 : i32
    %dma_wait3A_16 = arith.constant 0 : i32
    %dma_wait3A_17 = tpu.memref_slice %arg4[%dma_wait3A_15, %dma_wait3A_16] : memref<6144x1024xf32, #tpu.memory_space<hbm>> -> memref<6144x1024xf32, #tpu.memory_space<hbm>>
    tpu.wait_indirect_dma semaphore(%arg11 : memref<!tpu.dma_semaphore, #tpu.memory_space<semaphore_mem>>) src(%dma_wait3A_17 : memref<6144x1024xf32, #tpu.memory_space<hbm>>) dst(%arg9 : memref<32x1024xf32, #tpu.memory_space<vmem>>)
    "tpu.region"() ({
      %run_scoped3A = tpu.sem_alloc : memref<!tpu.dma_semaphore, #tpu.memory_space<semaphore_mem>>
      %dma_start3A_45 = arith.constant 0 : i32
      %dma_start3A_46 = tpu.memref_slice %arg5[%add3A_4, %dma_start3A_45] : memref<2048x1024xf32, #tpu.memory_space<hbm>> -> memref<32x1024xf32, #tpu.memory_space<hbm>>
      %dma_start3A_47 = arith.constant 0 : i32
      %dma_start3A_48 = tpu.memref_slice %arg5[%add3A_4, %dma_start3A_47] : memref<2048x1024xf32, #tpu.memory_space<hbm>> -> memref<32x1024xf32, #tpu.memory_space<hbm>>
      tpu.enqueue_dma source(%arg9 : memref<32x1024xf32, #tpu.memory_space<vmem>>) target(%dma_start3A_48 : memref<32x1024xf32, #tpu.memory_space<hbm>>) target_semaphore(%run_scoped3A : memref<!tpu.dma_semaphore, #tpu.memory_space<semaphore_mem>>)
      %dma_wait3A_49 = arith.constant 0 : i32
      %dma_wait3A_50 = tpu.memref_slice %arg5[%add3A_4, %dma_wait3A_49] : memref<2048x1024xf32, #tpu.memory_space<hbm>> -> memref<32x1024xf32, #tpu.memory_space<hbm>>
      %dma_wait3A_51 = arith.constant 0 : i32
      %dma_wait3A_52 = tpu.memref_slice %arg5[%add3A_4, %dma_wait3A_51] : memref<2048x1024xf32, #tpu.memory_space<hbm>> -> memref<32x1024xf32, #tpu.memory_space<hbm>>
      tpu.wait_dma2 semaphore(%run_scoped3A : memref<!tpu.dma_semaphore, #tpu.memory_space<semaphore_mem>>) src(%arg9 : memref<32x1024xf32, #tpu.memory_space<vmem>>) dst(%dma_wait3A_52 : memref<32x1024xf32, #tpu.memory_space<hbm>>)
      tpu.yield
    }) : () -> ()
    %dma_wait3A_18 = arith.constant 0 : i32
    %dma_wait3A_19 = tpu.memref_slice %arg8[%dma_wait3A_18] : memref<64xi32, #tpu.memory_space<vmem>> -> memref<32xi32, #tpu.memory_space<vmem>>
    %dma_wait3A_20 = arith.constant 0 : i32
    %dma_wait3A_21 = arith.constant 0 : i32
    %dma_wait3A_22 = tpu.memref_slice %arg4[%dma_wait3A_20, %dma_wait3A_21] : memref<6144x1024xf32, #tpu.memory_space<hbm>> -> memref<6144x1024xf32, #tpu.memory_space<hbm>>
    tpu.wait_indirect_dma semaphore(%arg11 : memref<!tpu.dma_semaphore, #tpu.memory_space<semaphore_mem>>) src(%dma_wait3A_22 : memref<6144x1024xf32, #tpu.memory_space<hbm>>) dst(%arg10 : memref<32x1024xf32, #tpu.memory_space<vmem>>)
    "tpu.region"() ({
      %run_scoped3A = tpu.sem_alloc : memref<!tpu.dma_semaphore, #tpu.memory_space<semaphore_mem>>
      %dma_start3A_45 = arith.constant 0 : i32
      %dma_start3A_46 = tpu.memref_slice %arg6[%add3A_4, %dma_start3A_45] : memref<2048x1024xf32, #tpu.memory_space<hbm>> -> memref<32x1024xf32, #tpu.memory_space<hbm>>
      %dma_start3A_47 = arith.constant 0 : i32
      %dma_start3A_48 = tpu.memref_slice %arg6[%add3A_4, %dma_start3A_47] : memref<2048x1024xf32, #tpu.memory_space<hbm>> -> memref<32x1024xf32, #tpu.memory_space<hbm>>
      tpu.enqueue_dma source(%arg10 : memref<32x1024xf32, #tpu.memory_space<vmem>>) target(%dma_start3A_48 : memref<32x1024xf32, #tpu.memory_space<hbm>>) target_semaphore(%run_scoped3A : memref<!tpu.dma_semaphore, #tpu.memory_space<semaphore_mem>>)
      %dma_wait3A_49 = arith.constant 0 : i32
      %dma_wait3A_50 = tpu.memref_slice %arg6[%add3A_4, %dma_wait3A_49] : memref<2048x1024xf32, #tpu.memory_space<hbm>> -> memref<32x1024xf32, #tpu.memory_space<hbm>>
      %dma_wait3A_51 = arith.constant 0 : i32
      %dma_wait3A_52 = tpu.memref_slice %arg6[%add3A_4, %dma_wait3A_51] : memref<2048x1024xf32, #tpu.memory_space<hbm>> -> memref<32x1024xf32, #tpu.memory_space<hbm>>
      tpu.wait_dma2 semaphore(%run_scoped3A : memref<!tpu.dma_semaphore, #tpu.memory_space<semaphore_mem>>) src(%arg10 : memref<32x1024xf32, #tpu.memory_space<vmem>>) dst(%dma_wait3A_52 : memref<32x1024xf32, #tpu.memory_space<hbm>>)
      tpu.yield
    }) : () -> ()
    %add3A_23 = arith.constant 32 : i32
    %add3A_24 = arith.addi %mul3A_2, %add3A_23 : i32
    %dma_start3A_25 = arith.constant 32 : i32
    %dma_start3A_26 = tpu.memref_slice %arg7[%dma_start3A_25] : memref<64xi32, #tpu.memory_space<vmem>> -> memref<32xi32, #tpu.memory_space<vmem>>
    %dma_start3A_27 = arith.constant 0 : i32
    %dma_start3A_28 = arith.constant 0 : i32
    %dma_start3A_29 = tpu.memref_slice %arg4[%dma_start3A_27, %dma_start3A_28] : memref<6144x1024xf32, #tpu.memory_space<hbm>> -> memref<6144x1024xf32, #tpu.memory_space<hbm>>
    tpu.enqueue_indirect_dma source(%dma_start3A_29 : memref<6144x1024xf32, #tpu.memory_space<hbm>>) target(%arg9 : memref<32x1024xf32, #tpu.memory_space<vmem>>) offsets(%dma_start3A_26 : memref<32xi32, #tpu.memory_space<vmem>>) semaphore(%arg11 : memref<!tpu.dma_semaphore, #tpu.memory_space<semaphore_mem>>)
    %dma_start3A_30 = arith.constant 32 : i32
    %dma_start3A_31 = tpu.memref_slice %arg8[%dma_start3A_30] : memref<64xi32, #tpu.memory_space<vmem>> -> memref<32xi32, #tpu.memory_space<vmem>>
    %dma_start3A_32 = arith.constant 0 : i32
    %dma_start3A_33 = arith.constant 0 : i32
    %dma_start3A_34 = tpu.memref_slice %arg4[%dma_start3A_32, %dma_start3A_33] : memref<6144x1024xf32, #tpu.memory_space<hbm>> -> memref<6144x1024xf32, #tpu.memory_space<hbm>>
    tpu.enqueue_indirect_dma source(%dma_start3A_34 : memref<6144x1024xf32, #tpu.memory_space<hbm>>) target(%arg10 : memref<32x1024xf32, #tpu.memory_space<vmem>>) offsets(%dma_start3A_31 : memref<32xi32, #tpu.memory_space<vmem>>) semaphore(%arg11 : memref<!tpu.dma_semaphore, #tpu.memory_space<semaphore_mem>>)
    %dma_wait3A_35 = arith.constant 32 : i32
    %dma_wait3A_36 = tpu.memref_slice %arg7[%dma_wait3A_35] : memref<64xi32, #tpu.memory_space<vmem>> -> memref<32xi32, #tpu.memory_space<vmem>>
    %dma_wait3A_37 = arith.constant 0 : i32
    %dma_wait3A_38 = arith.constant 0 : i32
    %dma_wait3A_39 = tpu.memref_slice %arg4[%dma_wait3A_37, %dma_wait3A_38] : memref<6144x1024xf32, #tpu.memory_space<hbm>> -> memref<6144x1024xf32, #tpu.memory_space<hbm>>
    tpu.wait_indirect_dma semaphore(%arg11 : memref<!tpu.dma_semaphore, #tpu.memory_space<semaphore_mem>>) src(%dma_wait3A_39 : memref<6144x1024xf32, #tpu.memory_space<hbm>>) dst(%arg9 : memref<32x1024xf32, #tpu.memory_space<vmem>>)
    "tpu.region"() ({
      %run_scoped3A = tpu.sem_alloc : memref<!tpu.dma_semaphore, #tpu.memory_space<semaphore_mem>>
      %dma_start3A_45 = arith.constant 0 : i32
      %dma_start3A_46 = tpu.memref_slice %arg5[%add3A_24, %dma_start3A_45] : memref<2048x1024xf32, #tpu.memory_space<hbm>> -> memref<32x1024xf32, #tpu.memory_space<hbm>>
      %dma_start3A_47 = arith.constant 0 : i32
      %dma_start3A_48 = tpu.memref_slice %arg5[%add3A_24, %dma_start3A_47] : memref<2048x1024xf32, #tpu.memory_space<hbm>> -> memref<32x1024xf32, #tpu.memory_space<hbm>>
      tpu.enqueue_dma source(%arg9 : memref<32x1024xf32, #tpu.memory_space<vmem>>) target(%dma_start3A_48 : memref<32x1024xf32, #tpu.memory_space<hbm>>) target_semaphore(%run_scoped3A : memref<!tpu.dma_semaphore, #tpu.memory_space<semaphore_mem>>)
      %dma_wait3A_49 = arith.constant 0 : i32
      %dma_wait3A_50 = tpu.memref_slice %arg5[%add3A_24, %dma_wait3A_49] : memref<2048x1024xf32, #tpu.memory_space<hbm>> -> memref<32x1024xf32, #tpu.memory_space<hbm>>
      %dma_wait3A_51 = arith.constant 0 : i32
      %dma_wait3A_52 = tpu.memref_slice %arg5[%add3A_24, %dma_wait3A_51] : memref<2048x1024xf32, #tpu.memory_space<hbm>> -> memref<32x1024xf32, #tpu.memory_space<hbm>>
      tpu.wait_dma2 semaphore(%run_scoped3A : memref<!tpu.dma_semaphore, #tpu.memory_space<semaphore_mem>>) src(%arg9 : memref<32x1024xf32, #tpu.memory_space<vmem>>) dst(%dma_wait3A_52 : memref<32x1024xf32, #tpu.memory_space<hbm>>)
      tpu.yield
    }) : () -> ()
    %dma_wait3A_40 = arith.constant 32 : i32
    %dma_wait3A_41 = tpu.memref_slice %arg8[%dma_wait3A_40] : memref<64xi32, #tpu.memory_space<vmem>> -> memref<32xi32, #tpu.memory_space<vmem>>
    %dma_wait3A_42 = arith.constant 0 : i32
    %dma_wait3A_43 = arith.constant 0 : i32
    %dma_wait3A_44 = tpu.memref_slice %arg4[%dma_wait3A_42, %dma_wait3A_43] : memref<6144x1024xf32, #tpu.memory_space<hbm>> -> memref<6144x1024xf32, #tpu.memory_space<hbm>>
    tpu.wait_indirect_dma semaphore(%arg11 : memref<!tpu.dma_semaphore, #tpu.memory_space<semaphore_mem>>) src(%dma_wait3A_44 : memref<6144x1024xf32, #tpu.memory_space<hbm>>) dst(%arg10 : memref<32x1024xf32, #tpu.memory_space<vmem>>)
    "tpu.region"() ({
      %run_scoped3A = tpu.sem_alloc : memref<!tpu.dma_semaphore, #tpu.memory_space<semaphore_mem>>
      %dma_start3A_45 = arith.constant 0 : i32
      %dma_start3A_46 = tpu.memref_slice %arg6[%add3A_24, %dma_start3A_45] : memref<2048x1024xf32, #tpu.memory_space<hbm>> -> memref<32x1024xf32, #tpu.memory_space<hbm>>
      %dma_start3A_47 = arith.constant 0 : i32
      %dma_start3A_48 = tpu.memref_slice %arg6[%add3A_24, %dma_start3A_47] : memref<2048x1024xf32, #tpu.memory_space<hbm>> -> memref<32x1024xf32, #tpu.memory_space<hbm>>
      tpu.enqueue_dma source(%arg10 : memref<32x1024xf32, #tpu.memory_space<vmem>>) target(%dma_start3A_48 : memref<32x1024xf32, #tpu.memory_space<hbm>>) target_semaphore(%run_scoped3A : memref<!tpu.dma_semaphore, #tpu.memory_space<semaphore_mem>>)
      %dma_wait3A_49 = arith.constant 0 : i32
      %dma_wait3A_50 = tpu.memref_slice %arg6[%add3A_24, %dma_wait3A_49] : memref<2048x1024xf32, #tpu.memory_space<hbm>> -> memref<32x1024xf32, #tpu.memory_space<hbm>>
      %dma_wait3A_51 = arith.constant 0 : i32
      %dma_wait3A_52 = tpu.memref_slice %arg6[%add3A_24, %dma_wait3A_51] : memref<2048x1024xf32, #tpu.memory_space<hbm>> -> memref<32x1024xf32, #tpu.memory_space<hbm>>
      tpu.wait_dma2 semaphore(%run_scoped3A : memref<!tpu.dma_semaphore, #tpu.memory_space<semaphore_mem>>) src(%arg10 : memref<32x1024xf32, #tpu.memory_space<vmem>>) dst(%dma_wait3A_52 : memref<32x1024xf32, #tpu.memory_space<hbm>>)
      tpu.yield
    }) : () -> ()
    return
  }
}

#map = affine_map<(d0, d1) -> (0)>
#map1 = affine_map<(d0, d1) -> (0, 0)>
module attributes {stable_mosaic.version = 14 : i64} {
  func.func @_k4_body(%arg0: i32, %arg1: i32, %arg2: memref<2048xi32, #tpu.memory_space<hbm>>, %arg3: memref<2048xi32, #tpu.memory_space<hbm>>, %arg4: memref<2048x1024xf32, #tpu.memory_space<hbm>>, %arg5: memref<6144x1024xf32, #tpu.memory_space<hbm>>, %arg6: memref<64xi32, #tpu.memory_space<vmem>>, %arg7: memref<64xi32, #tpu.memory_space<vmem>>, %arg8: memref<64x1024xf32, #tpu.memory_space<vmem>>, %arg9: memref<!tpu.dma_semaphore, #tpu.memory_space<semaphore_mem>>) attributes {dimension_semantics = [#tpu.dimension_semantics<core_parallel>, #tpu.dimension_semantics<subcore_parallel>], iteration_bounds = array<i64: 2, 16>, scalar_prefetch = 0 : i64, scratch_operands = 4 : i64, tpu.core_type = #tpu.core_type<sc_vector_subcore>, window_params = [{transform_indices = #map}, {transform_indices = #map}, {transform_indices = #map1}, {transform_indices = #map1}]} {
    %mul3A = arith.constant 2 : i32
    %mul3A_0 = arith.muli %arg1, %mul3A : i32
    %add3A = arith.addi %mul3A_0, %arg0 : i32
    %mul3A_1 = arith.constant 64 : i32
    %mul3A_2 = arith.muli %add3A, %mul3A_1 : i32
    %dma_start3A = arith.constant 0 : i32
    %dma_start3A_3 = tpu.memref_slice %arg4[%mul3A_2, %dma_start3A] : memref<2048x1024xf32, #tpu.memory_space<hbm>> -> memref<64x1024xf32, #tpu.memory_space<hbm>>
    %dma_start3A_4 = arith.constant 0 : i32
    %dma_start3A_5 = tpu.memref_slice %arg4[%mul3A_2, %dma_start3A_4] : memref<2048x1024xf32, #tpu.memory_space<hbm>> -> memref<64x1024xf32, #tpu.memory_space<hbm>>
    tpu.enqueue_dma source(%dma_start3A_5 : memref<64x1024xf32, #tpu.memory_space<hbm>>) target(%arg8 : memref<64x1024xf32, #tpu.memory_space<vmem>>) target_semaphore(%arg9 : memref<!tpu.dma_semaphore, #tpu.memory_space<semaphore_mem>>)
    "tpu.region"() ({
      %run_scoped3A = tpu.sem_alloc : memref<!tpu.dma_semaphore, #tpu.memory_space<semaphore_mem>>
      %dma_start3A_21 = tpu.memref_slice %arg2[%mul3A_2] : memref<2048xi32, #tpu.memory_space<hbm>> -> memref<64xi32, #tpu.memory_space<hbm>>
      %dma_start3A_22 = tpu.memref_slice %arg2[%mul3A_2] : memref<2048xi32, #tpu.memory_space<hbm>> -> memref<64xi32, #tpu.memory_space<hbm>>
      tpu.enqueue_dma source(%dma_start3A_22 : memref<64xi32, #tpu.memory_space<hbm>>) target(%arg6 : memref<64xi32, #tpu.memory_space<vmem>>) target_semaphore(%run_scoped3A : memref<!tpu.dma_semaphore, #tpu.memory_space<semaphore_mem>>)
      %dma_wait3A_23 = tpu.memref_slice %arg2[%mul3A_2] : memref<2048xi32, #tpu.memory_space<hbm>> -> memref<64xi32, #tpu.memory_space<hbm>>
      %dma_wait3A_24 = tpu.memref_slice %arg2[%mul3A_2] : memref<2048xi32, #tpu.memory_space<hbm>> -> memref<64xi32, #tpu.memory_space<hbm>>
      tpu.wait_dma2 semaphore(%run_scoped3A : memref<!tpu.dma_semaphore, #tpu.memory_space<semaphore_mem>>) src(%dma_wait3A_24 : memref<64xi32, #tpu.memory_space<hbm>>) dst(%arg6 : memref<64xi32, #tpu.memory_space<vmem>>)
      tpu.yield
    }) : () -> ()
    "tpu.region"() ({
      %run_scoped3A = tpu.sem_alloc : memref<!tpu.dma_semaphore, #tpu.memory_space<semaphore_mem>>
      %dma_start3A_21 = tpu.memref_slice %arg3[%mul3A_2] : memref<2048xi32, #tpu.memory_space<hbm>> -> memref<64xi32, #tpu.memory_space<hbm>>
      %dma_start3A_22 = tpu.memref_slice %arg3[%mul3A_2] : memref<2048xi32, #tpu.memory_space<hbm>> -> memref<64xi32, #tpu.memory_space<hbm>>
      tpu.enqueue_dma source(%dma_start3A_22 : memref<64xi32, #tpu.memory_space<hbm>>) target(%arg7 : memref<64xi32, #tpu.memory_space<vmem>>) target_semaphore(%run_scoped3A : memref<!tpu.dma_semaphore, #tpu.memory_space<semaphore_mem>>)
      %dma_wait3A_23 = tpu.memref_slice %arg3[%mul3A_2] : memref<2048xi32, #tpu.memory_space<hbm>> -> memref<64xi32, #tpu.memory_space<hbm>>
      %dma_wait3A_24 = tpu.memref_slice %arg3[%mul3A_2] : memref<2048xi32, #tpu.memory_space<hbm>> -> memref<64xi32, #tpu.memory_space<hbm>>
      tpu.wait_dma2 semaphore(%run_scoped3A : memref<!tpu.dma_semaphore, #tpu.memory_space<semaphore_mem>>) src(%dma_wait3A_24 : memref<64xi32, #tpu.memory_space<hbm>>) dst(%arg7 : memref<64xi32, #tpu.memory_space<vmem>>)
      tpu.yield
    }) : () -> ()
    %dma_wait3A = arith.constant 0 : i32
    %dma_wait3A_6 = tpu.memref_slice %arg4[%mul3A_2, %dma_wait3A] : memref<2048x1024xf32, #tpu.memory_space<hbm>> -> memref<64x1024xf32, #tpu.memory_space<hbm>>
    %dma_wait3A_7 = arith.constant 0 : i32
    %dma_wait3A_8 = tpu.memref_slice %arg4[%mul3A_2, %dma_wait3A_7] : memref<2048x1024xf32, #tpu.memory_space<hbm>> -> memref<64x1024xf32, #tpu.memory_space<hbm>>
    tpu.wait_dma2 semaphore(%arg9 : memref<!tpu.dma_semaphore, #tpu.memory_space<semaphore_mem>>) src(%dma_wait3A_8 : memref<64x1024xf32, #tpu.memory_space<hbm>>) dst(%arg8 : memref<64x1024xf32, #tpu.memory_space<vmem>>)
    %dma_start3A_9 = arith.constant 0 : i32
    %dma_start3A_10 = arith.constant 0 : i32
    %dma_start3A_11 = tpu.memref_slice %arg5[%dma_start3A_9, %dma_start3A_10] : memref<6144x1024xf32, #tpu.memory_space<hbm>> -> memref<6144x1024xf32, #tpu.memory_space<hbm>>
    tpu.enqueue_indirect_dma source(%arg8 : memref<64x1024xf32, #tpu.memory_space<vmem>>) target(%dma_start3A_11 : memref<6144x1024xf32, #tpu.memory_space<hbm>>) offsets(%arg6 : memref<64xi32, #tpu.memory_space<vmem>>) semaphore(%arg9 : memref<!tpu.dma_semaphore, #tpu.memory_space<semaphore_mem>>)
    %dma_start3A_12 = arith.constant 0 : i32
    %dma_start3A_13 = arith.constant 0 : i32
    %dma_start3A_14 = tpu.memref_slice %arg5[%dma_start3A_12, %dma_start3A_13] : memref<6144x1024xf32, #tpu.memory_space<hbm>> -> memref<6144x1024xf32, #tpu.memory_space<hbm>>
    tpu.enqueue_indirect_dma source(%arg8 : memref<64x1024xf32, #tpu.memory_space<vmem>>) target(%dma_start3A_14 : memref<6144x1024xf32, #tpu.memory_space<hbm>>) offsets(%arg7 : memref<64xi32, #tpu.memory_space<vmem>>) semaphore(%arg9 : memref<!tpu.dma_semaphore, #tpu.memory_space<semaphore_mem>>)
    %dma_wait3A_15 = arith.constant 0 : i32
    %dma_wait3A_16 = arith.constant 0 : i32
    %dma_wait3A_17 = tpu.memref_slice %arg5[%dma_wait3A_15, %dma_wait3A_16] : memref<6144x1024xf32, #tpu.memory_space<hbm>> -> memref<6144x1024xf32, #tpu.memory_space<hbm>>
    tpu.wait_indirect_dma semaphore(%arg9 : memref<!tpu.dma_semaphore, #tpu.memory_space<semaphore_mem>>) src(%arg8 : memref<64x1024xf32, #tpu.memory_space<vmem>>) dst(%dma_wait3A_17 : memref<6144x1024xf32, #tpu.memory_space<hbm>>)
    %dma_wait3A_18 = arith.constant 0 : i32
    %dma_wait3A_19 = arith.constant 0 : i32
    %dma_wait3A_20 = tpu.memref_slice %arg5[%dma_wait3A_18, %dma_wait3A_19] : memref<6144x1024xf32, #tpu.memory_space<hbm>> -> memref<6144x1024xf32, #tpu.memory_space<hbm>>
    tpu.wait_indirect_dma semaphore(%arg9 : memref<!tpu.dma_semaphore, #tpu.memory_space<semaphore_mem>>) src(%arg8 : memref<64x1024xf32, #tpu.memory_space<vmem>>) dst(%dma_wait3A_20 : memref<6144x1024xf32, #tpu.memory_space<hbm>>)
    return
  }
}

module attributes {stable_mosaic.version = 14 : i64} {
  func.func @_k1_body(%arg0: i32, %arg1: i32, %arg2: memref<512x1024xf32, #tpu.memory_space<vmem>>, %arg3: memref<1x1024xf32, #tpu.memory_space<vmem>>, %arg4: memref<1x1024xf32, #tpu.memory_space<vmem>>, %arg5: memref<1024x1024xf32, #tpu.memory_space<vmem>>, %arg6: memref<512x1024xf32, #tpu.memory_space<vmem>>) attributes {dimension_semantics = [#tpu.dimension_semantics<arbitrary>, #tpu.dimension_semantics<arbitrary>], iteration_bounds = array<i64: 3, 4>, scalar_prefetch = 0 : i64, scratch_operands = 0 : i64, tpu.core_type = #tpu.core_type<tc>, window_params = [{transform_indices = @transform_0, window_bounds = array<i64: 512, 1024>}, {pipeline_mode = #tpu.pipeline_mode<synchronous>, transform_indices = @transform_1, window_bounds = array<i64: 1, 1024>}, {pipeline_mode = #tpu.pipeline_mode<synchronous>, transform_indices = @transform_2, window_bounds = array<i64: 1, 1024>}, {transform_indices = @transform_3, window_bounds = array<i64: 1024, 1024>}, {transform_indices = @transform_4, window_bounds = array<i64: 512, 1024>}]} {
    %get3A = arith.constant 0 : index
    %get3A_0 = arith.constant 0 : index
    %get3A_1 = vector.load %arg2[%get3A, %get3A_0] : memref<512x1024xf32, #tpu.memory_space<vmem>>, vector<512x1024xf32>
    %reduce_sum3A = arith.constant dense<0.000000e+00> : vector<512xf32>
    %reduce_sum3A_2 = vector.multi_reduction <add>, %get3A_1, %reduce_sum3A [1] : vector<512x1024xf32> to vector<512xf32>
    %broadcast_in_dim3A = vector.shape_cast %reduce_sum3A_2 : vector<512xf32> to vector<512x1xf32>
    %div3A = arith.constant 1.024000e+03 : f32
    %div3A_3 = vector.broadcast %div3A : f32 to vector<512x1xf32>
    %div3A_4 = arith.divf %broadcast_in_dim3A, %div3A_3 : vector<512x1xf32>
    %sub3A = vector.broadcast %div3A_4 : vector<512x1xf32> to vector<512x1024xf32>
    %sub3A_5 = arith.subf %get3A_1, %sub3A : vector<512x1024xf32>
    %integer_pow3A = arith.mulf %sub3A_5, %sub3A_5 : vector<512x1024xf32>
    %reduce_sum3A_6 = arith.constant dense<0.000000e+00> : vector<512xf32>
    %reduce_sum3A_7 = vector.multi_reduction <add>, %integer_pow3A, %reduce_sum3A_6 [1] : vector<512x1024xf32> to vector<512xf32>
    %broadcast_in_dim3A_8 = vector.shape_cast %reduce_sum3A_7 : vector<512xf32> to vector<512x1xf32>
    %div3A_9 = arith.constant 1.024000e+03 : f32
    %div3A_10 = vector.broadcast %div3A_9 : f32 to vector<512x1xf32>
    %div3A_11 = arith.divf %broadcast_in_dim3A_8, %div3A_10 : vector<512x1xf32>
    %sub3A_12 = vector.broadcast %div3A_4 : vector<512x1xf32> to vector<512x1024xf32>
    %sub3A_13 = arith.subf %get3A_1, %sub3A_12 : vector<512x1024xf32>
    %add3A = arith.constant 9.99999974E-6 : f32
    %add3A_14 = vector.broadcast %add3A : f32 to vector<512x1xf32>
    %add3A_15 = arith.addf %div3A_11, %add3A_14 : vector<512x1xf32>
    %rsqrt3A = math.rsqrt %add3A_15 : vector<512x1xf32>
    %mul3A = vector.broadcast %rsqrt3A : vector<512x1xf32> to vector<512x1024xf32>
    %mul3A_16 = arith.mulf %sub3A_13, %mul3A : vector<512x1024xf32>
    %get3A_17 = arith.constant 0 : index
    %get3A_18 = arith.constant 0 : index
    %get3A_19 = vector.load %arg3[%get3A_17, %get3A_18] : memref<1x1024xf32, #tpu.memory_space<vmem>>, vector<1x1024xf32>
    %mul3A_20 = vector.broadcast %get3A_19 : vector<1x1024xf32> to vector<512x1024xf32>
    %mul3A_21 = arith.mulf %mul3A_16, %mul3A_20 : vector<512x1024xf32>
    %get3A_22 = arith.constant 0 : index
    %get3A_23 = arith.constant 0 : index
    %get3A_24 = vector.load %arg4[%get3A_22, %get3A_23] : memref<1x1024xf32, #tpu.memory_space<vmem>>, vector<1x1024xf32>
    %add3A_25 = vector.broadcast %get3A_24 : vector<1x1024xf32> to vector<512x1024xf32>
    %add3A_26 = arith.addf %mul3A_21, %add3A_25 : vector<512x1024xf32>
    %get3A_27 = arith.constant 0 : index
    %get3A_28 = arith.constant 0 : index
    %get3A_29 = vector.load %arg5[%get3A_27, %get3A_28] : memref<1024x1024xf32, #tpu.memory_space<vmem>>, vector<1024x1024xf32>
    %dot_general3A = arith.constant dense<0.000000e+00> : vector<512x1024xf32>
    %dot_general3A_30 = tpu.matmul %add3A_26, %get3A_29, %dot_general3A {dimension_numbers = #tpu.dot_dimension_numbers<[1], [0], [0], [1], [0, 0, 1, 1], [], []>, transpose_lhs_hint = false} : vector<512x1024xf32>, vector<1024x1024xf32>, vector<512x1024xf32> -> vector<512x1024xf32>
    %swap3A = arith.constant 0 : index
    %swap3A_31 = arith.constant 0 : index
    %swap3A_32 = vector.load %arg6[%swap3A, %swap3A_31] : memref<512x1024xf32, #tpu.memory_space<vmem>>, vector<512x1024xf32>
    tpu.vector_store %arg6[%swap3A, %swap3A_31], %dot_general3A_30 {strides = array<i32>} : memref<512x1024xf32, #tpu.memory_space<vmem>>, vector<512x1024xf32>,
    return
  }
  func.func @transform_0(%arg0: i32, %arg1: i32) -> (i32, i32) {
    %c0_i32 = arith.constant 0 : i32
    %c0_i32_0 = arith.constant 0 : i32
    return %arg1, %c0_i32 : i32, i32
  }
  func.func @transform_1(%arg0: i32, %arg1: i32) -> (i32, i32) {
    %c0_i32 = arith.constant 0 : i32
    %c0_i32_0 = arith.constant 0 : i32
    %c0_i32_1 = arith.constant 0 : i32
    return %c0_i32, %c0_i32_0 : i32, i32
  }
  func.func @transform_2(%arg0: i32, %arg1: i32) -> (i32, i32) {
    %c0_i32 = arith.constant 0 : i32
    %c0_i32_0 = arith.constant 0 : i32
    %c0_i32_1 = arith.constant 0 : i32
    return %c0_i32, %c0_i32_0 : i32, i32
  }
  func.func @transform_3(%arg0: i32, %arg1: i32) -> (i32, i32) {
    %c0_i32 = arith.constant 0 : i32
    %c0_i32_0 = arith.constant 0 : i32
    return %c0_i32, %arg0 : i32, i32
  }
  func.func @transform_4(%arg0: i32, %arg1: i32) -> (i32, i32) {
    %c0_i32 = arith.constant 0 : i32
    return %arg1, %arg0 : i32, i32
  }
}

module attributes {stable_mosaic.version = 14 : i64} {
  func.func @_k2_body(%arg0: i32, %arg1: i32, %arg2: memref<512x128xf32, #tpu.memory_space<vmem>>, %arg3: memref<2048x128xf32, #tpu.memory_space<vmem>>, %arg4: memref<2048x128xf32, #tpu.memory_space<vmem>>, %arg5: memref<512x128xf32, #tpu.memory_space<vmem>>) attributes {dimension_semantics = [#tpu.dimension_semantics<arbitrary>, #tpu.dimension_semantics<arbitrary>], iteration_bounds = array<i64: 8, 4>, scalar_prefetch = 0 : i64, scratch_operands = 0 : i64, tpu.core_type = #tpu.core_type<tc>, window_params = [{transform_indices = @transform_0, window_bounds = array<i64: 512, 128>}, {transform_indices = @transform_1, window_bounds = array<i64: 2048, 128>}, {transform_indices = @transform_2, window_bounds = array<i64: 2048, 128>}, {transform_indices = @transform_3, window_bounds = array<i64: 512, 128>}]} {
    %get3A = arith.constant 0 : index
    %get3A_0 = arith.constant 0 : index
    %get3A_1 = vector.load %arg2[%get3A, %get3A_0] : memref<512x128xf32, #tpu.memory_space<vmem>>, vector<512x64xf32>
    %get3A_2 = arith.constant 0 : index
    %get3A_3 = arith.constant 0 : index
    %get3A_4 = vector.load %arg3[%get3A_2, %get3A_3] : memref<2048x128xf32, #tpu.memory_space<vmem>>, vector<2048x64xf32>
    %get3A_5 = arith.constant 0 : index
    %get3A_6 = arith.constant 0 : index
    %get3A_7 = vector.load %arg4[%get3A_5, %get3A_6] : memref<2048x128xf32, #tpu.memory_space<vmem>>, vector<2048x64xf32>
    %dot_general3A = arith.constant dense<0.000000e+00> : vector<512x2048xf32>
    %dot_general3A_8 = tpu.matmul %get3A_1, %get3A_4, %dot_general3A {dimension_numbers = #tpu.dot_dimension_numbers<[1], [1], [0], [0], [0, 0, 1, 0], [], []>, transpose_lhs_hint = false} : vector<512x64xf32>, vector<2048x64xf32>, vector<512x2048xf32> -> vector<512x2048xf32>
    %mul3A = arith.constant 1.250000e-01 : f32
    %mul3A_9 = vector.broadcast %mul3A : f32 to vector<512x2048xf32>
    %mul3A_10 = arith.mulf %dot_general3A_8, %mul3A_9 : vector<512x2048xf32>
    %exp3A = math.exp %mul3A_10 : vector<512x2048xf32>
    %reduce_sum3A = arith.constant dense<0.000000e+00> : vector<512xf32>
    %reduce_sum3A_11 = vector.multi_reduction <add>, %exp3A, %reduce_sum3A [1] : vector<512x2048xf32> to vector<512xf32>
    %broadcast_in_dim3A = vector.shape_cast %reduce_sum3A_11 : vector<512xf32> to vector<512x1xf32>
    %div3A = arith.constant 1.000000e+00 : f32
    %div3A_12 = vector.broadcast %div3A : f32 to vector<512x1xf32>
    %div3A_13 = arith.divf %div3A_12, %broadcast_in_dim3A : vector<512x1xf32>
    %dot_general3A_14 = arith.constant dense<0.000000e+00> : vector<512x64xf32>
    %dot_general3A_15 = tpu.matmul %exp3A, %get3A_7, %dot_general3A_14 {dimension_numbers = #tpu.dot_dimension_numbers<[1], [0], [0], [1], [0, 0, 1, 1], [], []>, transpose_lhs_hint = false} : vector<512x2048xf32>, vector<2048x64xf32>, vector<512x64xf32> -> vector<512x64xf32>
    %mul3A_16 = vector.broadcast %div3A_13 : vector<512x1xf32> to vector<512x64xf32>
    %mul3A_17 = arith.mulf %dot_general3A_15, %mul3A_16 : vector<512x64xf32>
    %swap3A = arith.constant 0 : index
    %swap3A_18 = arith.constant 0 : index
    %swap3A_19 = vector.load %arg5[%swap3A, %swap3A_18] : memref<512x128xf32, #tpu.memory_space<vmem>>, vector<512x64xf32>
    tpu.vector_store %arg5[%swap3A, %swap3A_18], %mul3A_17 {strides = array<i32>} : memref<512x128xf32, #tpu.memory_space<vmem>>, vector<512x64xf32>,
    %get3A_20 = arith.constant 0 : index
    %get3A_21 = arith.constant 64 : index
    %get3A_22 = vector.load %arg2[%get3A_20, %get3A_21] : memref<512x128xf32, #tpu.memory_space<vmem>>, vector<512x64xf32>
    %get3A_23 = arith.constant 0 : index
    %get3A_24 = arith.constant 64 : index
    %get3A_25 = vector.load %arg3[%get3A_23, %get3A_24] : memref<2048x128xf32, #tpu.memory_space<vmem>>, vector<2048x64xf32>
    %get3A_26 = arith.constant 0 : index
    %get3A_27 = arith.constant 64 : index
    %get3A_28 = vector.load %arg4[%get3A_26, %get3A_27] : memref<2048x128xf32, #tpu.memory_space<vmem>>, vector<2048x64xf32>
    %dot_general3A_29 = arith.constant dense<0.000000e+00> : vector<512x2048xf32>
    %dot_general3A_30 = tpu.matmul %get3A_22, %get3A_25, %dot_general3A_29 {dimension_numbers = #tpu.dot_dimension_numbers<[1], [1], [0], [0], [0, 0, 1, 0], [], []>, transpose_lhs_hint = false} : vector<512x64xf32>, vector<2048x64xf32>, vector<512x2048xf32> -> vector<512x2048xf32>
    %mul3A_31 = arith.constant 1.250000e-01 : f32
    %mul3A_32 = vector.broadcast %mul3A_31 : f32 to vector<512x2048xf32>
    %mul3A_33 = arith.mulf %dot_general3A_30, %mul3A_32 : vector<512x2048xf32>
    %exp3A_34 = math.exp %mul3A_33 : vector<512x2048xf32>
    %reduce_sum3A_35 = arith.constant dense<0.000000e+00> : vector<512xf32>
    %reduce_sum3A_36 = vector.multi_reduction <add>, %exp3A_34, %reduce_sum3A_35 [1] : vector<512x2048xf32> to vector<512xf32>
    %broadcast_in_dim3A_37 = vector.shape_cast %reduce_sum3A_36 : vector<512xf32> to vector<512x1xf32>
    %div3A_38 = arith.constant 1.000000e+00 : f32
    %div3A_39 = vector.broadcast %div3A_38 : f32 to vector<512x1xf32>
    %div3A_40 = arith.divf %div3A_39, %broadcast_in_dim3A_37 : vector<512x1xf32>
    %dot_general3A_41 = arith.constant dense<0.000000e+00> : vector<512x64xf32>
    %dot_general3A_42 = tpu.matmul %exp3A_34, %get3A_28, %dot_general3A_41 {dimension_numbers = #tpu.dot_dimension_numbers<[1], [0], [0], [1], [0, 0, 1, 1], [], []>, transpose_lhs_hint = false} : vector<512x2048xf32>, vector<2048x64xf32>, vector<512x64xf32> -> vector<512x64xf32>
    %mul3A_43 = vector.broadcast %div3A_40 : vector<512x1xf32> to vector<512x64xf32>
    %mul3A_44 = arith.mulf %dot_general3A_42, %mul3A_43 : vector<512x64xf32>
    %swap3A_45 = arith.constant 0 : index
    %swap3A_46 = arith.constant 64 : index
    %swap3A_47 = vector.load %arg5[%swap3A_45, %swap3A_46] : memref<512x128xf32, #tpu.memory_space<vmem>>, vector<512x64xf32>
    tpu.vector_store %arg5[%swap3A_45, %swap3A_46], %mul3A_44 {strides = array<i32>} : memref<512x128xf32, #tpu.memory_space<vmem>>, vector<512x64xf32>,
    return
  }
  func.func @transform_0(%arg0: i32, %arg1: i32) -> (i32, i32) {
    %c0_i32 = arith.constant 0 : i32
    return %arg1, %arg0 : i32, i32
  }
  func.func @transform_1(%arg0: i32, %arg1: i32) -> (i32, i32) {
    %add3A = arith.constant 8 : i32
    %add3A_0 = arith.addi %add3A, %arg0 : i32
    %c0_i32 = arith.constant 0 : i32
    %c0_i32_1 = arith.constant 0 : i32
    return %c0_i32, %add3A_0 : i32, i32
  }
  func.func @transform_2(%arg0: i32, %arg1: i32) -> (i32, i32) {
    %add3A = arith.constant 16 : i32
    %add3A_0 = arith.addi %add3A, %arg0 : i32
    %c0_i32 = arith.constant 0 : i32
    %c0_i32_1 = arith.constant 0 : i32
    return %c0_i32, %add3A_0 : i32, i32
  }
  func.func @transform_3(%arg0: i32, %arg1: i32) -> (i32, i32) {
    %c0_i32 = arith.constant 0 : i32
    return %arg1, %arg0 : i32, i32
  }
}

module attributes {stable_mosaic.version = 14 : i64} {
  func.func @_k3_body(%arg0: i32, %arg1: memref<256x1024xf32, #tpu.memory_space<vmem>>, %arg2: memref<256x1024xf32, #tpu.memory_space<vmem>>, %arg3: memref<1024x1024xf32, #tpu.memory_space<vmem>>, %arg4: memref<1x1024xf32, #tpu.memory_space<vmem>>, %arg5: memref<1x1024xf32, #tpu.memory_space<vmem>>, %arg6: memref<1x1024xf32, #tpu.memory_space<vmem>>, %arg7: memref<1024x128xf32, #tpu.memory_space<vmem>>, %arg8: memref<256x1024xf32, #tpu.memory_space<vmem>>, %arg9: memref<256x1024xf32, #tpu.memory_space<vmem>>, %arg10: memref<1x256x1xi32, #tpu.memory_space<vmem>>, %arg11: memref<1x256x1xi32, #tpu.memory_space<vmem>>, %arg12: memref<1x256x1xf32, #tpu.memory_space<vmem>>, %arg13: memref<1x256x1xf32, #tpu.memory_space<vmem>>, %arg14: memref<1x128xf32, #tpu.memory_space<vmem>>, %arg15: memref<1x128xf32, #tpu.memory_space<vmem>>, %arg16: memref<1x256x1xi32, #tpu.memory_space<vmem>>, %arg17: memref<1x256x1xi32, #tpu.memory_space<vmem>>, %arg18: memref<1x128xi32, #tpu.memory_space<vmem>>) attributes {dimension_semantics = [#tpu.dimension_semantics<arbitrary>], iteration_bounds = array<i64: 8>, scalar_prefetch = 0 : i64, scratch_operands = 0 : i64, tpu.core_type = #tpu.core_type<tc>, window_params = [{transform_indices = @transform_0, window_bounds = array<i64: 256, 1024>}, {transform_indices = @transform_1, window_bounds = array<i64: 256, 1024>}, {pipeline_mode = #tpu.pipeline_mode<synchronous>, transform_indices = @transform_2, window_bounds = array<i64: 1024, 1024>}, {pipeline_mode = #tpu.pipeline_mode<synchronous>, transform_indices = @transform_3, window_bounds = array<i64: 1, 1024>}, {pipeline_mode = #tpu.pipeline_mode<synchronous>, transform_indices = @transform_4, window_bounds = array<i64: 1, 1024>}, {pipeline_mode = #tpu.pipeline_mode<synchronous>, transform_indices = @transform_5, window_bounds = array<i64: 1, 1024>}, {pipeline_mode = #tpu.pipeline_mode<synchronous>, transform_indices = @transform_6, window_bounds = array<i64: 1024, 128>}, {transform_indices = @transform_7, window_bounds = array<i64: 256, 1024>}, {transform_indices = @transform_8, window_bounds = array<i64: 256, 1024>}, {transform_indices = @transform_9, window_bounds = array<i64: 1, 256, 1>}, {transform_indices = @transform_10, window_bounds = array<i64: 1, 256, 1>}, {transform_indices = @transform_11, window_bounds = array<i64: 1, 256, 1>}, {transform_indices = @transform_12, window_bounds = array<i64: 1, 256, 1>}, {pipeline_mode = #tpu.pipeline_mode<synchronous>, transform_indices = @transform_13, window_bounds = array<i64: 1, 128>}, {pipeline_mode = #tpu.pipeline_mode<synchronous>, transform_indices = @transform_14, window_bounds = array<i64: 1, 128>}, {transform_indices = @transform_15, window_bounds = array<i64: 1, 256, 1>}, {transform_indices = @transform_16, window_bounds = array<i64: 1, 256, 1>}, {pipeline_mode = #tpu.pipeline_mode<synchronous>, transform_indices = @transform_17, window_bounds = array<i64: 1, 128>}]} {
    %get3A = arith.constant 0 : index
    %get3A_0 = arith.constant 0 : index
    %get3A_1 = vector.load %arg2[%get3A, %get3A_0] : memref<256x1024xf32, #tpu.memory_space<vmem>>, vector<256x1024xf32>
    %get3A_2 = arith.constant 0 : index
    %get3A_3 = arith.constant 0 : index
    %get3A_4 = vector.load %arg1[%get3A_2, %get3A_3] : memref<256x1024xf32, #tpu.memory_space<vmem>>, vector<256x1024xf32>
    %get3A_5 = arith.constant 0 : index
    %get3A_6 = arith.constant 0 : index
    %get3A_7 = vector.load %arg3[%get3A_5, %get3A_6] : memref<1024x1024xf32, #tpu.memory_space<vmem>>, vector<1024x1024xf32>
    %dot_general3A = arith.constant dense<0.000000e+00> : vector<256x1024xf32>
    %dot_general3A_8 = tpu.matmul %get3A_4, %get3A_7, %dot_general3A {dimension_numbers = #tpu.dot_dimension_numbers<[1], [0], [0], [1], [0, 0, 1, 1], [], []>, transpose_lhs_hint = false} : vector<256x1024xf32>, vector<1024x1024xf32>, vector<256x1024xf32> -> vector<256x1024xf32>
    %add3A = arith.addf %get3A_1, %dot_general3A_8 : vector<256x1024xf32>
    %get3A_9 = arith.constant 0 : index
    %get3A_10 = arith.constant 0 : index
    %get3A_11 = vector.load %arg4[%get3A_9, %get3A_10] : memref<1x1024xf32, #tpu.memory_space<vmem>>, vector<1x1024xf32>
    %add3A_12 = vector.broadcast %get3A_11 : vector<1x1024xf32> to vector<256x1024xf32>
    %add3A_13 = arith.addf %add3A, %add3A_12 : vector<256x1024xf32>
    %swap3A = arith.constant 0 : index
    %swap3A_14 = arith.constant 0 : index
    %swap3A_15 = vector.load %arg8[%swap3A, %swap3A_14] : memref<256x1024xf32, #tpu.memory_space<vmem>>, vector<256x1024xf32>
    tpu.vector_store %arg8[%swap3A, %swap3A_14], %add3A_13 {strides = array<i32>} : memref<256x1024xf32, #tpu.memory_space<vmem>>, vector<256x1024xf32>,
    %reduce_sum3A = arith.constant dense<0.000000e+00> : vector<256xf32>
    %reduce_sum3A_16 = vector.multi_reduction <add>, %add3A_13, %reduce_sum3A [1] : vector<256x1024xf32> to vector<256xf32>
    %broadcast_in_dim3A = vector.shape_cast %reduce_sum3A_16 : vector<256xf32> to vector<256x1xf32>
    %div3A = arith.constant 1.024000e+03 : f32
    %div3A_17 = vector.broadcast %div3A : f32 to vector<256x1xf32>
    %div3A_18 = arith.divf %broadcast_in_dim3A, %div3A_17 : vector<256x1xf32>
    %sub3A = vector.broadcast %div3A_18 : vector<256x1xf32> to vector<256x1024xf32>
    %sub3A_19 = arith.subf %add3A_13, %sub3A : vector<256x1024xf32>
    %integer_pow3A = arith.mulf %sub3A_19, %sub3A_19 : vector<256x1024xf32>
    %reduce_sum3A_20 = arith.constant dense<0.000000e+00> : vector<256xf32>
    %reduce_sum3A_21 = vector.multi_reduction <add>, %integer_pow3A, %reduce_sum3A_20 [1] : vector<256x1024xf32> to vector<256xf32>
    %broadcast_in_dim3A_22 = vector.shape_cast %reduce_sum3A_21 : vector<256xf32> to vector<256x1xf32>
    %div3A_23 = arith.constant 1.024000e+03 : f32
    %div3A_24 = vector.broadcast %div3A_23 : f32 to vector<256x1xf32>
    %div3A_25 = arith.divf %broadcast_in_dim3A_22, %div3A_24 : vector<256x1xf32>
    %sub3A_26 = vector.broadcast %div3A_18 : vector<256x1xf32> to vector<256x1024xf32>
    %sub3A_27 = arith.subf %add3A_13, %sub3A_26 : vector<256x1024xf32>
    %add3A_28 = arith.constant 9.99999974E-6 : f32
    %add3A_29 = vector.broadcast %add3A_28 : f32 to vector<256x1xf32>
    %add3A_30 = arith.addf %div3A_25, %add3A_29 : vector<256x1xf32>
    %rsqrt3A = math.rsqrt %add3A_30 : vector<256x1xf32>
    %mul3A = vector.broadcast %rsqrt3A : vector<256x1xf32> to vector<256x1024xf32>
    %mul3A_31 = arith.mulf %sub3A_27, %mul3A : vector<256x1024xf32>
    %get3A_32 = arith.constant 0 : index
    %get3A_33 = arith.constant 0 : index
    %get3A_34 = vector.load %arg5[%get3A_32, %get3A_33] : memref<1x1024xf32, #tpu.memory_space<vmem>>, vector<1x1024xf32>
    %mul3A_35 = vector.broadcast %get3A_34 : vector<1x1024xf32> to vector<256x1024xf32>
    %mul3A_36 = arith.mulf %mul3A_31, %mul3A_35 : vector<256x1024xf32>
    %get3A_37 = arith.constant 0 : index
    %get3A_38 = arith.constant 0 : index
    %get3A_39 = vector.load %arg6[%get3A_37, %get3A_38] : memref<1x1024xf32, #tpu.memory_space<vmem>>, vector<1x1024xf32>
    %add3A_40 = vector.broadcast %get3A_39 : vector<1x1024xf32> to vector<256x1024xf32>
    %add3A_41 = arith.addf %mul3A_36, %add3A_40 : vector<256x1024xf32>
    %swap3A_42 = arith.constant 0 : index
    %swap3A_43 = arith.constant 0 : index
    %swap3A_44 = vector.load %arg9[%swap3A_42, %swap3A_43] : memref<256x1024xf32, #tpu.memory_space<vmem>>, vector<256x1024xf32>
    tpu.vector_store %arg9[%swap3A_42, %swap3A_43], %add3A_41 {strides = array<i32>} : memref<256x1024xf32, #tpu.memory_space<vmem>>, vector<256x1024xf32>,
    %get3A_45 = arith.constant 0 : index
    %get3A_46 = arith.constant 0 : index
    %get3A_47 = vector.load %arg7[%get3A_45, %get3A_46] : memref<1024x128xf32, #tpu.memory_space<vmem>>, vector<1024x128xf32>
    %dot_general3A_48 = arith.constant dense<0.000000e+00> : vector<256x128xf32>
    %dot_general3A_49 = tpu.matmul %add3A_41, %get3A_47, %dot_general3A_48 {dimension_numbers = #tpu.dot_dimension_numbers<[1], [0], [0], [1], [0, 0, 1, 1], [], []>, transpose_lhs_hint = false} : vector<256x1024xf32>, vector<1024x128xf32>, vector<256x128xf32> -> vector<256x128xf32>
    %iota3A = tpu.iota {dimensions = array<i32: 1>} : vector<256x128xi32>
    %lt3A = arith.constant 8 : i32
    %lt3A_50 = vector.broadcast %lt3A : i32 to vector<256x128xi32>
    %lt3A_51 = arith.cmpi slt, %iota3A, %lt3A_50 : vector<256x128xi32>
    %jit3A = arith.constant -1.000000e+30 : f32
    %broadcast_in_dim3A_52 = vector.broadcast %jit3A : f32 to vector<256x128xf32>
    %select_n3A = arith.select %lt3A_51, %dot_general3A_49, %broadcast_in_dim3A_52 : vector<256x128xi1>, vector<256x128xf32>
    %reduce_max3A = arith.constant dense<0xFF800000> : vector<256xf32>
    %reduce_max3A_53 = vector.multi_reduction <maximumf>, %select_n3A, %reduce_max3A [1] : vector<256x128xf32> to vector<256xf32>
    %broadcast_in_dim3A_54 = vector.shape_cast %reduce_max3A_53 : vector<256xf32> to vector<256x1xf32>
    %eq3A = vector.broadcast %broadcast_in_dim3A_54 : vector<256x1xf32> to vector<256x128xf32>
    %eq3A_55 = arith.cmpf oeq, %select_n3A, %eq3A : vector<256x128xf32>
    %jit3A_56 = arith.constant 128 : i32
    %broadcast_in_dim3A_57 = vector.broadcast %jit3A_56 : i32 to vector<256x128xi32>
    %select_n3A_58 = arith.select %eq3A_55, %iota3A, %broadcast_in_dim3A_57 : vector<256x128xi1>, vector<256x128xi32>
    %reduce_min3A = arith.constant dense<2147483647> : vector<256xi32>
    %reduce_min3A_59 = vector.multi_reduction <minsi>, %select_n3A_58, %reduce_min3A [1] : vector<256x128xi32> to vector<256xi32>
    %broadcast_in_dim3A_60 = vector.shape_cast %reduce_min3A_59 : vector<256xi32> to vector<256x1xi32>
    %eq3A_61 = vector.broadcast %broadcast_in_dim3A_60 : vector<256x1xi32> to vector<256x128xi32>
    %eq3A_62 = arith.cmpi eq, %iota3A, %eq3A_61 : vector<256x128xi32>
    %jit3A_63 = arith.constant -1.000000e+30 : f32
    %broadcast_in_dim3A_64 = vector.broadcast %jit3A_63 : f32 to vector<256x128xf32>
    %select_n3A_65 = arith.select %eq3A_62, %broadcast_in_dim3A_64, %select_n3A : vector<256x128xi1>, vector<256x128xf32>
    %reduce_max3A_66 = arith.constant dense<0xFF800000> : vector<256xf32>
    %reduce_max3A_67 = vector.multi_reduction <maximumf>, %select_n3A_65, %reduce_max3A_66 [1] : vector<256x128xf32> to vector<256xf32>
    %broadcast_in_dim3A_68 = vector.shape_cast %reduce_max3A_67 : vector<256xf32> to vector<256x1xf32>
    %eq3A_69 = vector.broadcast %broadcast_in_dim3A_68 : vector<256x1xf32> to vector<256x128xf32>
    %eq3A_70 = arith.cmpf oeq, %select_n3A_65, %eq3A_69 : vector<256x128xf32>
    %jit3A_71 = arith.constant 128 : i32
    %broadcast_in_dim3A_72 = vector.broadcast %jit3A_71 : i32 to vector<256x128xi32>
    %select_n3A_73 = arith.select %eq3A_70, %iota3A, %broadcast_in_dim3A_72 : vector<256x128xi1>, vector<256x128xi32>
    %reduce_min3A_74 = arith.constant dense<2147483647> : vector<256xi32>
    %reduce_min3A_75 = vector.multi_reduction <minsi>, %select_n3A_73, %reduce_min3A_74 [1] : vector<256x128xi32> to vector<256xi32>
    %broadcast_in_dim3A_76 = vector.shape_cast %reduce_min3A_75 : vector<256xi32> to vector<256x1xi32>
    %sub3A_77 = arith.subf %broadcast_in_dim3A_68, %broadcast_in_dim3A_54 : vector<256x1xf32>
    %exp3A = math.exp %sub3A_77 : vector<256x1xf32>
    %add3A_78 = arith.constant 1.000000e+00 : f32
    %add3A_79 = vector.broadcast %add3A_78 : f32 to vector<256x1xf32>
    %add3A_80 = arith.addf %add3A_79, %exp3A : vector<256x1xf32>
    %div3A_81 = arith.constant 1.000000e+00 : f32
    %div3A_82 = vector.broadcast %div3A_81 : f32 to vector<256x1xf32>
    %div3A_83 = arith.divf %div3A_82, %add3A_80 : vector<256x1xf32>
    %add3A_84 = arith.constant 1.000000e+00 : f32
    %add3A_85 = vector.broadcast %add3A_84 : f32 to vector<256x1xf32>
    %add3A_86 = arith.addf %add3A_85, %exp3A : vector<256x1xf32>
    %div3A_87 = arith.divf %exp3A, %add3A_86 : vector<256x1xf32>
    %reshape3A = vector.shape_cast %broadcast_in_dim3A_60 : vector<256x1xi32> to vector<1x256x1xi32>
    %swap3A_88 = arith.constant 0 : index
    %swap3A_89 = arith.constant 0 : index
    %swap3A_90 = arith.constant 0 : index
    %swap3A_91 = vector.load %arg10[%swap3A_88, %swap3A_89, %swap3A_90] : memref<1x256x1xi32, #tpu.memory_space<vmem>>, vector<1x256x1xi32>
    tpu.vector_store %arg10[%swap3A_88, %swap3A_89, %swap3A_90], %reshape3A {strides = array<i32>} : memref<1x256x1xi32, #tpu.memory_space<vmem>>, vector<1x256x1xi32>,
    %reshape3A_92 = vector.shape_cast %broadcast_in_dim3A_76 : vector<256x1xi32> to vector<1x256x1xi32>
    %swap3A_93 = arith.constant 0 : index
    %swap3A_94 = arith.constant 0 : index
    %swap3A_95 = arith.constant 0 : index
    %swap3A_96 = vector.load %arg11[%swap3A_93, %swap3A_94, %swap3A_95] : memref<1x256x1xi32, #tpu.memory_space<vmem>>, vector<1x256x1xi32>
    tpu.vector_store %arg11[%swap3A_93, %swap3A_94, %swap3A_95], %reshape3A_92 {strides = array<i32>} : memref<1x256x1xi32, #tpu.memory_space<vmem>>, vector<1x256x1xi32>,
    %reshape3A_97 = vector.shape_cast %div3A_83 : vector<256x1xf32> to vector<1x256x1xf32>
    %swap3A_98 = arith.constant 0 : index
    %swap3A_99 = arith.constant 0 : index
    %swap3A_100 = arith.constant 0 : index
    %swap3A_101 = vector.load %arg12[%swap3A_98, %swap3A_99, %swap3A_100] : memref<1x256x1xf32, #tpu.memory_space<vmem>>, vector<1x256x1xf32>
    tpu.vector_store %arg12[%swap3A_98, %swap3A_99, %swap3A_100], %reshape3A_97 {strides = array<i32>} : memref<1x256x1xf32, #tpu.memory_space<vmem>>, vector<1x256x1xf32>,
    %reshape3A_102 = vector.shape_cast %div3A_87 : vector<256x1xf32> to vector<1x256x1xf32>
    %swap3A_103 = arith.constant 0 : index
    %swap3A_104 = arith.constant 0 : index
    %swap3A_105 = arith.constant 0 : index
    %swap3A_106 = vector.load %arg13[%swap3A_103, %swap3A_104, %swap3A_105] : memref<1x256x1xf32, #tpu.memory_space<vmem>>, vector<1x256x1xf32>
    tpu.vector_store %arg13[%swap3A_103, %swap3A_104, %swap3A_105], %reshape3A_102 {strides = array<i32>} : memref<1x256x1xf32, #tpu.memory_space<vmem>>, vector<1x256x1xf32>,
    %eq3A_107 = vector.broadcast %broadcast_in_dim3A_60 : vector<256x1xi32> to vector<256x128xi32>
    %eq3A_108 = arith.cmpi eq, %iota3A, %eq3A_107 : vector<256x128xi32>
    %jit3A_109 = arith.constant 1.000000e+00 : f32
    %jit3A_110 = arith.constant 0.000000e+00 : f32
    %broadcast_in_dim3A_111 = vector.broadcast %jit3A_109 : f32 to vector<256x128xf32>
    %broadcast_in_dim3A_112 = vector.broadcast %jit3A_110 : f32 to vector<256x128xf32>
    %select_n3A_113 = arith.select %eq3A_108, %broadcast_in_dim3A_111, %broadcast_in_dim3A_112 : vector<256x128xi1>, vector<256x128xf32>
    %eq3A_114 = vector.broadcast %broadcast_in_dim3A_76 : vector<256x1xi32> to vector<256x128xi32>
    %eq3A_115 = arith.cmpi eq, %iota3A, %eq3A_114 : vector<256x128xi32>
    %jit3A_116 = arith.constant 1.000000e+00 : f32
    %jit3A_117 = arith.constant 0.000000e+00 : f32
    %broadcast_in_dim3A_118 = vector.broadcast %jit3A_116 : f32 to vector<256x128xf32>
    %broadcast_in_dim3A_119 = vector.broadcast %jit3A_117 : f32 to vector<256x128xf32>
    %select_n3A_120 = arith.select %eq3A_115, %broadcast_in_dim3A_118, %broadcast_in_dim3A_119 : vector<256x128xi1>, vector<256x128xf32>
    %mul3A_121 = vector.broadcast %div3A_83 : vector<256x1xf32> to vector<256x128xf32>
    %mul3A_122 = arith.mulf %select_n3A_113, %mul3A_121 : vector<256x128xf32>
    %mul3A_123 = vector.broadcast %div3A_87 : vector<256x1xf32> to vector<256x128xf32>
    %mul3A_124 = arith.mulf %select_n3A_120, %mul3A_123 : vector<256x128xf32>
    %add3A_125 = arith.addf %mul3A_122, %mul3A_124 : vector<256x128xf32>
    %reduce_sum3A_126 = arith.constant dense<0.000000e+00> : vector<128xf32>
    %reduce_sum3A_127 = vector.multi_reduction <add>, %add3A_125, %reduce_sum3A_126 [0] : vector<256x128xf32> to vector<128xf32>
    %broadcast_in_dim3A_128 = vector.shape_cast %reduce_sum3A_127 : vector<128xf32> to vector<1x128xf32>
    %gt3A = arith.constant 0.000000e+00 : f32
    %gt3A_129 = vector.broadcast %gt3A : f32 to vector<256x1xf32>
    %gt3A_130 = arith.cmpf ogt, %div3A_83, %gt3A_129 : vector<256x1xf32>
    %jit3A_131 = arith.constant 1.000000e+00 : f32
    %jit3A_132 = arith.constant 0.000000e+00 : f32
    %broadcast_in_dim3A_133 = vector.broadcast %jit3A_131 : f32 to vector<256x1xf32>
    %broadcast_in_dim3A_134 = vector.broadcast %jit3A_132 : f32 to vector<256x1xf32>
    %select_n3A_135 = arith.select %gt3A_130, %broadcast_in_dim3A_133, %broadcast_in_dim3A_134 : vector<256x1xi1>, vector<256x1xf32>
    %mul3A_136 = vector.broadcast %select_n3A_135 : vector<256x1xf32> to vector<256x128xf32>
    %mul3A_137 = arith.mulf %select_n3A_113, %mul3A_136 : vector<256x128xf32>
    %gt3A_138 = arith.constant 0.000000e+00 : f32
    %gt3A_139 = vector.broadcast %gt3A_138 : f32 to vector<256x1xf32>
    %gt3A_140 = arith.cmpf ogt, %div3A_87, %gt3A_139 : vector<256x1xf32>
    %jit3A_141 = arith.constant 1.000000e+00 : f32
    %jit3A_142 = arith.constant 0.000000e+00 : f32
    %broadcast_in_dim3A_143 = vector.broadcast %jit3A_141 : f32 to vector<256x1xf32>
    %broadcast_in_dim3A_144 = vector.broadcast %jit3A_142 : f32 to vector<256x1xf32>
    %select_n3A_145 = arith.select %gt3A_140, %broadcast_in_dim3A_143, %broadcast_in_dim3A_144 : vector<256x1xi1>, vector<256x1xf32>
    %mul3A_146 = vector.broadcast %select_n3A_145 : vector<256x1xf32> to vector<256x128xf32>
    %mul3A_147 = arith.mulf %select_n3A_120, %mul3A_146 : vector<256x128xf32>
    %add3A_148 = arith.addf %mul3A_137, %mul3A_147 : vector<256x128xf32>
    %reduce_sum3A_149 = arith.constant dense<0.000000e+00> : vector<128xf32>
    %reduce_sum3A_150 = vector.multi_reduction <add>, %add3A_148, %reduce_sum3A_149 [0] : vector<256x128xf32> to vector<128xf32>
    %broadcast_in_dim3A_151 = vector.shape_cast %reduce_sum3A_150 : vector<128xf32> to vector<1x128xf32>
    %eq3A_152 = arith.constant 0 : i32
    %eq3A_153 = arith.cmpi eq, %arg0, %eq3A_152 : i32
    %convert_element_type3A = arith.extui %eq3A_153 : i1 to i32
    %cond3A = arith.constant 0 : i32
    %cond3A_154 = arith.cmpi ne, %convert_element_type3A, %cond3A : i32
    scf.if %cond3A_154 {
      %broadcast_in_dim3A_213 = arith.constant 0.000000e+00 : f32
      %broadcast_in_dim3A_214 = vector.broadcast %broadcast_in_dim3A_213 : f32 to vector<1x128xf32>
      %swap3A_215 = arith.constant 0 : index
      %swap3A_216 = arith.constant 0 : index
      %swap3A_217 = vector.load %arg14[%swap3A_215, %swap3A_216] : memref<1x128xf32, #tpu.memory_space<vmem>>, vector<1x128xf32>
      tpu.vector_store %arg14[%swap3A_215, %swap3A_216], %broadcast_in_dim3A_214 {strides = array<i32>} : memref<1x128xf32, #tpu.memory_space<vmem>>, vector<1x128xf32>,
      %broadcast_in_dim3A_218 = arith.constant 0.000000e+00 : f32
      %broadcast_in_dim3A_219 = vector.broadcast %broadcast_in_dim3A_218 : f32 to vector<1x128xf32>
      %swap3A_220 = arith.constant 0 : index
      %swap3A_221 = arith.constant 0 : index
      %swap3A_222 = vector.load %arg15[%swap3A_220, %swap3A_221] : memref<1x128xf32, #tpu.memory_space<vmem>>, vector<1x128xf32>
      tpu.vector_store %arg15[%swap3A_220, %swap3A_221], %broadcast_in_dim3A_219 {strides = array<i32>} : memref<1x128xf32, #tpu.memory_space<vmem>>, vector<1x128xf32>,
      %broadcast_in_dim3A_223 = arith.constant 0 : i32
      %broadcast_in_dim3A_224 = vector.broadcast %broadcast_in_dim3A_223 : i32 to vector<1x128xi32>
      %swap3A_225 = arith.constant 0 : index
      %swap3A_226 = arith.constant 0 : index
      %swap3A_227 = vector.load %arg18[%swap3A_225, %swap3A_226] : memref<1x128xi32, #tpu.memory_space<vmem>>, vector<1x128xi32>
      tpu.vector_store %arg18[%swap3A_225, %swap3A_226], %broadcast_in_dim3A_224 {strides = array<i32>} : memref<1x128xi32, #tpu.memory_space<vmem>>, vector<1x128xi32>,
    } else {
    }
    %get3A_155 = arith.constant 0 : index
    %get3A_156 = arith.constant 0 : index
    %get3A_157 = vector.load %arg14[%get3A_155, %get3A_156] : memref<1x128xf32, #tpu.memory_space<vmem>>, vector<1x128xf32>
    %add3A_158 = arith.addf %get3A_157, %broadcast_in_dim3A_128 : vector<1x128xf32>
    %swap3A_159 = arith.constant 0 : index
    %swap3A_160 = arith.constant 0 : index
    %swap3A_161 = vector.load %arg14[%swap3A_159, %swap3A_160] : memref<1x128xf32, #tpu.memory_space<vmem>>, vector<1x128xf32>
    tpu.vector_store %arg14[%swap3A_159, %swap3A_160], %add3A_158 {strides = array<i32>} : memref<1x128xf32, #tpu.memory_space<vmem>>, vector<1x128xf32>,
    %get3A_162 = arith.constant 0 : index
    %get3A_163 = arith.constant 0 : index
    %get3A_164 = vector.load %arg15[%get3A_162, %get3A_163] : memref<1x128xf32, #tpu.memory_space<vmem>>, vector<1x128xf32>
    %add3A_165 = arith.addf %get3A_164, %broadcast_in_dim3A_151 : vector<1x128xf32>
    %swap3A_166 = arith.constant 0 : index
    %swap3A_167 = arith.constant 0 : index
    %swap3A_168 = vector.load %arg15[%swap3A_166, %swap3A_167] : memref<1x128xf32, #tpu.memory_space<vmem>>, vector<1x128xf32>
    tpu.vector_store %arg15[%swap3A_166, %swap3A_167], %add3A_165 {strides = array<i32>} : memref<1x128xf32, #tpu.memory_space<vmem>>, vector<1x128xf32>,
    %get3A_169 = arith.constant 0 : index
    %get3A_170 = arith.constant 0 : index
    %get3A_171 = vector.load %arg18[%get3A_169, %get3A_170] : memref<1x128xi32, #tpu.memory_space<vmem>>, vector<1x128xi32>
    %convert_element_type3A_172 = arith.sitofp %get3A_171 : vector<1x128xi32> to vector<1x128xf32>
    %concatenate3A = tpu.concatenate %select_n3A_113, %select_n3A_120 in 0 : vector<256x128xf32>, vector<256x128xf32> -> vector<512x128xf32>
    %iota3A_173 = tpu.iota {dimensions = array<i32: 0>} : vector<512x512xi32>
    %iota3A_174 = tpu.iota {dimensions = array<i32: 1>} : vector<512x512xi32>
    %gt3A_175 = arith.cmpi sgt, %iota3A_173, %iota3A_174 : vector<512x512xi32>
    %jit3A_176 = arith.constant 1.000000e+00 : f32
    %jit3A_177 = arith.constant 0.000000e+00 : f32
    %broadcast_in_dim3A_178 = vector.broadcast %jit3A_176 : f32 to vector<512x512xf32>
    %broadcast_in_dim3A_179 = vector.broadcast %jit3A_177 : f32 to vector<512x512xf32>
    %select_n3A_180 = arith.select %gt3A_175, %broadcast_in_dim3A_178, %broadcast_in_dim3A_179 : vector<512x512xi1>, vector<512x512xf32>
    %dot_general3A_181 = arith.constant dense<0.000000e+00> : vector<512x128xf32>
    %dot_general3A_182 = tpu.matmul %select_n3A_180, %concatenate3A, %dot_general3A_181 {dimension_numbers = #tpu.dot_dimension_numbers<[1], [0], [0], [1], [0, 0, 1, 1], [], []>, transpose_lhs_hint = false} : vector<512x512xf32>, vector<512x128xf32>, vector<512x128xf32> -> vector<512x128xf32>
    %add3A_183 = vector.broadcast %convert_element_type3A_172 : vector<1x128xf32> to vector<512x128xf32>
    %add3A_184 = arith.addf %dot_general3A_182, %add3A_183 : vector<512x128xf32>
    %mul3A_185 = arith.mulf %add3A_184, %concatenate3A : vector<512x128xf32>
    %reduce_sum3A_186 = arith.constant dense<0.000000e+00> : vector<512xf32>
    %reduce_sum3A_187 = vector.multi_reduction <add>, %mul3A_185, %reduce_sum3A_186 [1] : vector<512x128xf32> to vector<512xf32>
    %broadcast_in_dim3A_188 = vector.shape_cast %reduce_sum3A_187 : vector<512xf32> to vector<512x1xf32>
    %slice3A = vector.extract_strided_slice %broadcast_in_dim3A_188 {offsets = [0, 0], sizes = [256, 1], strides = [1, 1]} : vector<512x1xf32> to vector<256x1xf32>
    %convert_element_type3A_189 = arith.fptosi %slice3A : vector<256x1xf32> to vector<256x1xi32>
    %reshape3A_190 = vector.shape_cast %convert_element_type3A_189 : vector<256x1xi32> to vector<1x256x1xi32>
    %swap3A_191 = arith.constant 0 : index
    %swap3A_192 = arith.constant 0 : index
    %swap3A_193 = arith.constant 0 : index
    %swap3A_194 = vector.load %arg16[%swap3A_191, %swap3A_192, %swap3A_193] : memref<1x256x1xi32, #tpu.memory_space<vmem>>, vector<1x256x1xi32>
    tpu.vector_store %arg16[%swap3A_191, %swap3A_192, %swap3A_193], %reshape3A_190 {strides = array<i32>} : memref<1x256x1xi32, #tpu.memory_space<vmem>>, vector<1x256x1xi32>,
    %slice3A_195 = vector.extract_strided_slice %broadcast_in_dim3A_188 {offsets = [256, 0], sizes = [256, 1], strides = [1, 1]} : vector<512x1xf32> to vector<256x1xf32>
    %convert_element_type3A_196 = arith.fptosi %slice3A_195 : vector<256x1xf32> to vector<256x1xi32>
    %reshape3A_197 = vector.shape_cast %convert_element_type3A_196 : vector<256x1xi32> to vector<1x256x1xi32>
    %swap3A_198 = arith.constant 0 : index
    %swap3A_199 = arith.constant 0 : index
    %swap3A_200 = arith.constant 0 : index
    %swap3A_201 = vector.load %arg17[%swap3A_198, %swap3A_199, %swap3A_200] : memref<1x256x1xi32, #tpu.memory_space<vmem>>, vector<1x256x1xi32>
    tpu.vector_store %arg17[%swap3A_198, %swap3A_199, %swap3A_200], %reshape3A_197 {strides = array<i32>} : memref<1x256x1xi32, #tpu.memory_space<vmem>>, vector<1x256x1xi32>,
    %get3A_202 = arith.constant 0 : index
    %get3A_203 = arith.constant 0 : index
    %get3A_204 = vector.load %arg18[%get3A_202, %get3A_203] : memref<1x128xi32, #tpu.memory_space<vmem>>, vector<1x128xi32>
    %reduce_sum3A_205 = arith.constant dense<0.000000e+00> : vector<128xf32>
    %reduce_sum3A_206 = vector.multi_reduction <add>, %concatenate3A, %reduce_sum3A_205 [0] : vector<512x128xf32> to vector<128xf32>
    %broadcast_in_dim3A_207 = vector.shape_cast %reduce_sum3A_206 : vector<128xf32> to vector<1x128xf32>
    %convert_element_type3A_208 = arith.fptosi %broadcast_in_dim3A_207 : vector<1x128xf32> to vector<1x128xi32>
    %add3A_209 = arith.addi %get3A_204, %convert_element_type3A_208 : vector<1x128xi32>
    %swap3A_210 = arith.constant 0 : index
    %swap3A_211 = arith.constant 0 : index
    %swap3A_212 = vector.load %arg18[%swap3A_210, %swap3A_211] : memref<1x128xi32, #tpu.memory_space<vmem>>, vector<1x128xi32>
    tpu.vector_store %arg18[%swap3A_210, %swap3A_211], %add3A_209 {strides = array<i32>} : memref<1x128xi32, #tpu.memory_space<vmem>>, vector<1x128xi32>,
    return
  }
  func.func @transform_0(%arg0: i32) -> (i32, i32) {
    %c0_i32 = arith.constant 0 : i32
    %c0_i32_0 = arith.constant 0 : i32
    return %arg0, %c0_i32 : i32, i32
  }
  func.func @transform_1(%arg0: i32) -> (i32, i32) {
    %c0_i32 = arith.constant 0 : i32
    %c0_i32_0 = arith.constant 0 : i32
    return %arg0, %c0_i32 : i32, i32
  }
  func.func @transform_2(%arg0: i32) -> (i32, i32) {
    %c0_i32 = arith.constant 0 : i32
    %c0_i32_0 = arith.constant 0 : i32
    %c0_i32_1 = arith.constant 0 : i32
    return %c0_i32, %c0_i32_0 : i32, i32
  }
  func.func @transform_3(%arg0: i32) -> (i32, i32) {
    %c0_i32 = arith.constant 0 : i32
    %c0_i32_0 = arith.constant 0 : i32
    %c0_i32_1 = arith.constant 0 : i32
    return %c0_i32, %c0_i32_0 : i32, i32
  }
  func.func @transform_4(%arg0: i32) -> (i32, i32) {
    %c0_i32 = arith.constant 0 : i32
    %c0_i32_0 = arith.constant 0 : i32
    %c0_i32_1 = arith.constant 0 : i32
    return %c0_i32, %c0_i32_0 : i32, i32
  }
  func.func @transform_5(%arg0: i32) -> (i32, i32) {
    %c0_i32 = arith.constant 0 : i32
    %c0_i32_0 = arith.constant 0 : i32
    %c0_i32_1 = arith.constant 0 : i32
    return %c0_i32, %c0_i32_0 : i32, i32
  }
  func.func @transform_6(%arg0: i32) -> (i32, i32) {
    %c0_i32 = arith.constant 0 : i32
    %c0_i32_0 = arith.constant 0 : i32
    %c0_i32_1 = arith.constant 0 : i32
    return %c0_i32, %c0_i32_0 : i32, i32
  }
  func.func @transform_7(%arg0: i32) -> (i32, i32) {
    %c0_i32 = arith.constant 0 : i32
    %c0_i32_0 = arith.constant 0 : i32
    return %arg0, %c0_i32 : i32, i32
  }
  func.func @transform_8(%arg0: i32) -> (i32, i32) {
    %c0_i32 = arith.constant 0 : i32
    %c0_i32_0 = arith.constant 0 : i32
    return %arg0, %c0_i32 : i32, i32
  }
  func.func @transform_9(%arg0: i32) -> (i32, i32, i32) {
    %c0_i32 = arith.constant 0 : i32
    %c0_i32_0 = arith.constant 0 : i32
    %c0_i32_1 = arith.constant 0 : i32
    return %arg0, %c0_i32, %c0_i32_0 : i32, i32, i32
  }
  func.func @transform_10(%arg0: i32) -> (i32, i32, i32) {
    %c0_i32 = arith.constant 0 : i32
    %c0_i32_0 = arith.constant 0 : i32
    %c0_i32_1 = arith.constant 0 : i32
    return %arg0, %c0_i32, %c0_i32_0 : i32, i32, i32
  }
  func.func @transform_11(%arg0: i32) -> (i32, i32, i32) {
    %c0_i32 = arith.constant 0 : i32
    %c0_i32_0 = arith.constant 0 : i32
    %c0_i32_1 = arith.constant 0 : i32
    return %arg0, %c0_i32, %c0_i32_0 : i32, i32, i32
  }
  func.func @transform_12(%arg0: i32) -> (i32, i32, i32) {
    %c0_i32 = arith.constant 0 : i32
    %c0_i32_0 = arith.constant 0 : i32
    %c0_i32_1 = arith.constant 0 : i32
    return %arg0, %c0_i32, %c0_i32_0 : i32, i32, i32
  }
  func.func @transform_13(%arg0: i32) -> (i32, i32) {
    %c0_i32 = arith.constant 0 : i32
    %c0_i32_0 = arith.constant 0 : i32
    %c0_i32_1 = arith.constant 0 : i32
    return %c0_i32, %c0_i32_0 : i32, i32
  }
  func.func @transform_14(%arg0: i32) -> (i32, i32) {
    %c0_i32 = arith.constant 0 : i32
    %c0_i32_0 = arith.constant 0 : i32
    %c0_i32_1 = arith.constant 0 : i32
    return %c0_i32, %c0_i32_0 : i32, i32
  }
  func.func @transform_15(%arg0: i32) -> (i32, i32, i32) {
    %c0_i32 = arith.constant 0 : i32
    %c0_i32_0 = arith.constant 0 : i32
    %c0_i32_1 = arith.constant 0 : i32
    return %arg0, %c0_i32, %c0_i32_0 : i32, i32, i32
  }
  func.func @transform_16(%arg0: i32) -> (i32, i32, i32) {
    %c0_i32 = arith.constant 0 : i32
    %c0_i32_0 = arith.constant 0 : i32
    %c0_i32_1 = arith.constant 0 : i32
    return %arg0, %c0_i32, %c0_i32_0 : i32, i32, i32
  }
  func.func @transform_17(%arg0: i32) -> (i32, i32) {
    %c0_i32 = arith.constant 0 : i32
    %c0_i32_0 = arith.constant 0 : i32
    %c0_i32_1 = arith.constant 0 : i32
    return %c0_i32, %c0_i32_0 : i32, i32
  }
}

module attributes {stable_mosaic.version = 14 : i64} {
  func.func @_k3b_body(%arg0: i32, %arg1: memref<1x128xi32, #tpu.memory_space<vmem>>, %arg2: memref<1x256x1xi32, #tpu.memory_space<vmem>>, %arg3: memref<1x256x1xi32, #tpu.memory_space<vmem>>, %arg4: memref<1x256x1xi32, #tpu.memory_space<vmem>>, %arg5: memref<1x256x1xi32, #tpu.memory_space<vmem>>, %arg6: memref<1x256x1xi32, #tpu.memory_space<vmem>>, %arg7: memref<1x256x1xi32, #tpu.memory_space<vmem>>, %arg8: memref<128x1xi32, #tpu.memory_space<vmem>>, %arg9: memref<1x128xi32, #tpu.memory_space<vmem>>) attributes {dimension_semantics = [#tpu.dimension_semantics<arbitrary>], iteration_bounds = array<i64: 8>, scalar_prefetch = 0 : i64, scratch_operands = 0 : i64, tpu.core_type = #tpu.core_type<tc>, window_params = [{pipeline_mode = #tpu.pipeline_mode<synchronous>, transform_indices = @transform_0, window_bounds = array<i64: 1, 128>}, {transform_indices = @transform_1, window_bounds = array<i64: 1, 256, 1>}, {transform_indices = @transform_2, window_bounds = array<i64: 1, 256, 1>}, {transform_indices = @transform_3, window_bounds = array<i64: 1, 256, 1>}, {transform_indices = @transform_4, window_bounds = array<i64: 1, 256, 1>}, {transform_indices = @transform_5, window_bounds = array<i64: 1, 256, 1>}, {transform_indices = @transform_6, window_bounds = array<i64: 1, 256, 1>}, {pipeline_mode = #tpu.pipeline_mode<synchronous>, transform_indices = @transform_7, window_bounds = array<i64: 128, 1>}, {pipeline_mode = #tpu.pipeline_mode<synchronous>, transform_indices = @transform_8, window_bounds = array<i64: 1, 128>}]} {
    %get3A = arith.constant 0 : index
    %get3A_0 = arith.constant 0 : index
    %get3A_1 = vector.load %arg1[%get3A, %get3A_0] : memref<1x128xi32, #tpu.memory_space<vmem>>, vector<1x128xi32>
    %add3A = arith.constant 255 : i32
    %add3A_2 = vector.broadcast %add3A : i32 to vector<1x128xi32>
    %add3A_3 = arith.addi %get3A_1, %add3A_2 : vector<1x128xi32>
    %shift_right_arithmetic3A = arith.constant 8 : i32
    %shift_right_arithmetic3A_4 = vector.broadcast %shift_right_arithmetic3A : i32 to vector<1x128xi32>
    %shift_right_arithmetic3A_5 = arith.shrsi %add3A_3, %shift_right_arithmetic3A_4 : vector<1x128xi32>
    %shift_left3A = arith.constant 8 : i32
    %shift_left3A_6 = vector.broadcast %shift_left3A : i32 to vector<1x128xi32>
    %shift_left3A_7 = arith.shli %shift_right_arithmetic3A_5, %shift_left3A_6 : vector<1x128xi32>
    %convert_element_type3A = arith.sitofp %shift_left3A_7 : vector<1x128xi32> to vector<1x128xf32>
    %iota3A = tpu.iota {dimensions = array<i32: 0>} : vector<128x128xi32>
    %iota3A_8 = tpu.iota {dimensions = array<i32: 1>} : vector<128x128xi32>
    %lt3A = arith.cmpi slt, %iota3A, %iota3A_8 : vector<128x128xi32>
    %jit3A = arith.constant 1.000000e+00 : f32
    %jit3A_9 = arith.constant 0.000000e+00 : f32
    %broadcast_in_dim3A = vector.broadcast %jit3A : f32 to vector<128x128xf32>
    %broadcast_in_dim3A_10 = vector.broadcast %jit3A_9 : f32 to vector<128x128xf32>
    %select_n3A = arith.select %lt3A, %broadcast_in_dim3A, %broadcast_in_dim3A_10 : vector<128x128xi1>, vector<128x128xf32>
    %dot_general3A = arith.constant dense<0.000000e+00> : vector<1x128xf32>
    %dot_general3A_11 = tpu.matmul %convert_element_type3A, %select_n3A, %dot_general3A {dimension_numbers = #tpu.dot_dimension_numbers<[1], [0], [0], [1], [0, 0, 1, 1], [], []>, transpose_lhs_hint = false} : vector<1x128xf32>, vector<128x128xf32>, vector<1x128xf32> -> vector<1x128xf32>
    %get3A_12 = arith.constant 0 : index
    %get3A_13 = arith.constant 0 : index
    %get3A_14 = arith.constant 0 : index
    %get3A_15 = vector.load %arg2[%get3A_12, %get3A_13, %get3A_14] : memref<1x256x1xi32, #tpu.memory_space<vmem>>, vector<1x256x1xi32>
    %reshape3A = vector.shape_cast %get3A_15 : vector<1x256x1xi32> to vector<256x1xi32>
    %get3A_16 = arith.constant 0 : index
    %get3A_17 = arith.constant 0 : index
    %get3A_18 = arith.constant 0 : index
    %get3A_19 = vector.load %arg3[%get3A_16, %get3A_17, %get3A_18] : memref<1x256x1xi32, #tpu.memory_space<vmem>>, vector<1x256x1xi32>
    %reshape3A_20 = vector.shape_cast %get3A_19 : vector<1x256x1xi32> to vector<256x1xi32>
    %iota3A_21 = tpu.iota {dimensions = array<i32: 1>} : vector<256x128xi32>
    %eq3A = vector.broadcast %reshape3A : vector<256x1xi32> to vector<256x128xi32>
    %eq3A_22 = arith.cmpi eq, %iota3A_21, %eq3A : vector<256x128xi32>
    %jit3A_23 = arith.constant 0.000000e+00 : f32
    %broadcast_in_dim3A_24 = vector.shape_cast %dot_general3A_11 : vector<1x128xf32> to vector<1x128xf32>
    %broadcast_in_dim3A_25 = vector.broadcast %broadcast_in_dim3A_24 : vector<1x128xf32> to vector<256x128xf32>
    %broadcast_in_dim3A_26 = vector.broadcast %jit3A_23 : f32 to vector<256x128xf32>
    %select_n3A_27 = arith.select %eq3A_22, %broadcast_in_dim3A_25, %broadcast_in_dim3A_26 : vector<256x128xi1>, vector<256x128xf32>
    %reduce_sum3A = arith.constant dense<0.000000e+00> : vector<256xf32>
    %reduce_sum3A_28 = vector.multi_reduction <add>, %select_n3A_27, %reduce_sum3A [1] : vector<256x128xf32> to vector<256xf32>
    %broadcast_in_dim3A_29 = vector.shape_cast %reduce_sum3A_28 : vector<256xf32> to vector<256x1xf32>
    %eq3A_30 = vector.broadcast %reshape3A_20 : vector<256x1xi32> to vector<256x128xi32>
    %eq3A_31 = arith.cmpi eq, %iota3A_21, %eq3A_30 : vector<256x128xi32>
    %jit3A_32 = arith.constant 0.000000e+00 : f32
    %broadcast_in_dim3A_33 = vector.shape_cast %dot_general3A_11 : vector<1x128xf32> to vector<1x128xf32>
    %broadcast_in_dim3A_34 = vector.broadcast %broadcast_in_dim3A_33 : vector<1x128xf32> to vector<256x128xf32>
    %broadcast_in_dim3A_35 = vector.broadcast %jit3A_32 : f32 to vector<256x128xf32>
    %select_n3A_36 = arith.select %eq3A_31, %broadcast_in_dim3A_34, %broadcast_in_dim3A_35 : vector<256x128xi1>, vector<256x128xf32>
    %reduce_sum3A_37 = arith.constant dense<0.000000e+00> : vector<256xf32>
    %reduce_sum3A_38 = vector.multi_reduction <add>, %select_n3A_36, %reduce_sum3A_37 [1] : vector<256x128xf32> to vector<256xf32>
    %broadcast_in_dim3A_39 = vector.shape_cast %reduce_sum3A_38 : vector<256xf32> to vector<256x1xf32>
    %get3A_40 = arith.constant 0 : index
    %get3A_41 = arith.constant 0 : index
    %get3A_42 = arith.constant 0 : index
    %get3A_43 = vector.load %arg4[%get3A_40, %get3A_41, %get3A_42] : memref<1x256x1xi32, #tpu.memory_space<vmem>>, vector<1x256x1xi32>
    %reshape3A_44 = vector.shape_cast %get3A_43 : vector<1x256x1xi32> to vector<256x1xi32>
    %convert_element_type3A_45 = arith.fptosi %broadcast_in_dim3A_29 : vector<256x1xf32> to vector<256x1xi32>
    %add3A_46 = arith.addi %reshape3A_44, %convert_element_type3A_45 : vector<256x1xi32>
    %reshape3A_47 = vector.shape_cast %add3A_46 : vector<256x1xi32> to vector<1x256x1xi32>
    %swap3A = arith.constant 0 : index
    %swap3A_48 = arith.constant 0 : index
    %swap3A_49 = arith.constant 0 : index
    %swap3A_50 = vector.load %arg6[%swap3A, %swap3A_48, %swap3A_49] : memref<1x256x1xi32, #tpu.memory_space<vmem>>, vector<1x256x1xi32>
    tpu.vector_store %arg6[%swap3A, %swap3A_48, %swap3A_49], %reshape3A_47 {strides = array<i32>} : memref<1x256x1xi32, #tpu.memory_space<vmem>>, vector<1x256x1xi32>,
    %get3A_51 = arith.constant 0 : index
    %get3A_52 = arith.constant 0 : index
    %get3A_53 = arith.constant 0 : index
    %get3A_54 = vector.load %arg5[%get3A_51, %get3A_52, %get3A_53] : memref<1x256x1xi32, #tpu.memory_space<vmem>>, vector<1x256x1xi32>
    %reshape3A_55 = vector.shape_cast %get3A_54 : vector<1x256x1xi32> to vector<256x1xi32>
    %convert_element_type3A_56 = arith.fptosi %broadcast_in_dim3A_39 : vector<256x1xf32> to vector<256x1xi32>
    %add3A_57 = arith.addi %reshape3A_55, %convert_element_type3A_56 : vector<256x1xi32>
    %reshape3A_58 = vector.shape_cast %add3A_57 : vector<256x1xi32> to vector<1x256x1xi32>
    %swap3A_59 = arith.constant 0 : index
    %swap3A_60 = arith.constant 0 : index
    %swap3A_61 = arith.constant 0 : index
    %swap3A_62 = vector.load %arg7[%swap3A_59, %swap3A_60, %swap3A_61] : memref<1x256x1xi32, #tpu.memory_space<vmem>>, vector<1x256x1xi32>
    tpu.vector_store %arg7[%swap3A_59, %swap3A_60, %swap3A_61], %reshape3A_58 {strides = array<i32>} : memref<1x256x1xi32, #tpu.memory_space<vmem>>, vector<1x256x1xi32>,
    %eq3A_63 = arith.constant 0 : i32
    %eq3A_64 = arith.cmpi eq, %arg0, %eq3A_63 : i32
    %convert_element_type3A_65 = arith.extui %eq3A_64 : i1 to i32
    %cond3A = arith.constant 0 : i32
    %cond3A_66 = arith.cmpi ne, %convert_element_type3A_65, %cond3A : i32
    scf.if %cond3A_66 {
      %iota3A_67 = tpu.iota {dimensions = array<i32: 1>} : vector<1x128xi32>
      %reduce_sum3A_68 = vector.shape_cast %convert_element_type3A : vector<1x128xf32> to vector<1x1x128xf32>
      %reduce_sum3A_69 = arith.constant dense<0.000000e+00> : vector<1xf32>
      %reduce_sum3A_70 = vector.multi_reduction <add>, %reduce_sum3A_68, %reduce_sum3A_69 [1, 2] : vector<1x1x128xf32> to vector<1xf32>
      %reduce_sum3A_71 = vector.shape_cast %reduce_sum3A_70 : vector<1xf32> to vector<1x1x1xf32>
      %reduce_sum3A_72 = vector.extract %reduce_sum3A_71[0, 0, 0] : f32 from vector<1x1x1xf32>
      %mul3A = arith.constant 3.906250e-03 : f32
      %mul3A_73 = arith.mulf %reduce_sum3A_72, %mul3A : f32
      %gt3A = arith.constant 0 : i32
      %gt3A_74 = vector.broadcast %gt3A : i32 to vector<1x128xi32>
      %gt3A_75 = arith.cmpi sgt, %get3A_1, %gt3A_74 : vector<1x128xi32>
      %jit3A_76 = arith.constant 0 : i32
      %broadcast_in_dim3A_77 = vector.broadcast %jit3A_76 : i32 to vector<1x128xi32>
      %select_n3A_78 = arith.select %gt3A_75, %iota3A_67, %broadcast_in_dim3A_77 : vector<1x128xi1>, vector<1x128xi32>
      %reduce_max3A = vector.shape_cast %select_n3A_78 : vector<1x128xi32> to vector<1x1x128xi32>
      %reduce_max3A_79 = arith.constant dense<-2147483648> : vector<1xi32>
      %reduce_max3A_80 = vector.multi_reduction <maxsi>, %reduce_max3A, %reduce_max3A_79 [1, 2] : vector<1x1x128xi32> to vector<1xi32>
      %reduce_max3A_81 = vector.shape_cast %reduce_max3A_80 : vector<1xi32> to vector<1x1x1xi32>
      %reduce_max3A_82 = vector.extract %reduce_max3A_81[0, 0, 0] : i32 from vector<1x1x1xi32>
      %mul3A_83 = arith.constant 256 : i32
      %mul3A_84 = vector.broadcast %mul3A_83 : i32 to vector<128x128xi32>
      %mul3A_85 = arith.muli %iota3A, %mul3A_84 : vector<128x128xi32>
      %convert_element_type3A_86 = arith.sitofp %mul3A_85 : vector<128x128xi32> to vector<128x128xf32>
      %broadcast_in_dim3A_87 = vector.shape_cast %dot_general3A_11 : vector<1x128xf32> to vector<1x128xf32>
      %broadcast_in_dim3A_88 = vector.broadcast %broadcast_in_dim3A_87 : vector<1x128xf32> to vector<128x128xf32>
      %broadcast_in_dim3A_89 = vector.shape_cast %convert_element_type3A : vector<1x128xf32> to vector<1x128xf32>
      %broadcast_in_dim3A_90 = vector.broadcast %broadcast_in_dim3A_89 : vector<1x128xf32> to vector<128x128xf32>
      %add3A_91 = arith.addf %broadcast_in_dim3A_88, %broadcast_in_dim3A_90 : vector<128x128xf32>
      %ge3A = arith.cmpf oge, %convert_element_type3A_86, %broadcast_in_dim3A_88 : vector<128x128xf32>
      %lt3A_92 = arith.cmpf olt, %convert_element_type3A_86, %add3A_91 : vector<128x128xf32>
      %and3A = arith.andi %ge3A, %lt3A_92 : vector<128x128xi1>
      %jit3A_93 = arith.constant 1.000000e+00 : f32
      %jit3A_94 = arith.constant 0.000000e+00 : f32
      %broadcast_in_dim3A_95 = vector.broadcast %jit3A_93 : f32 to vector<128x128xf32>
      %broadcast_in_dim3A_96 = vector.broadcast %jit3A_94 : f32 to vector<128x128xf32>
      %select_n3A_97 = arith.select %and3A, %broadcast_in_dim3A_95, %broadcast_in_dim3A_96 : vector<128x128xi1>, vector<128x128xf32>
      %convert_element_type3A_98 = arith.sitofp %iota3A_8 : vector<128x128xi32> to vector<128x128xf32>
      %mul3A_99 = arith.mulf %select_n3A_97, %convert_element_type3A_98 : vector<128x128xf32>
      %reduce_sum3A_100 = arith.constant dense<0.000000e+00> : vector<128xf32>
      %reduce_sum3A_101 = vector.multi_reduction <add>, %mul3A_99, %reduce_sum3A_100 [1] : vector<128x128xf32> to vector<128xf32>
      %broadcast_in_dim3A_102 = vector.shape_cast %reduce_sum3A_101 : vector<128xf32> to vector<128x1xf32>
      %iota3A_103 = tpu.iota {dimensions = array<i32: 0>} : vector<128x1xi32>
      %convert_element_type3A_104 = arith.sitofp %iota3A_103 : vector<128x1xi32> to vector<128x1xf32>
      %ge3A_105 = vector.broadcast %mul3A_73 : f32 to vector<128x1xf32>
      %ge3A_106 = arith.cmpf oge, %convert_element_type3A_104, %ge3A_105 : vector<128x1xf32>
      %convert_element_type3A_107 = arith.sitofp %reduce_max3A_82 : i32 to f32
      %broadcast_in_dim3A_108 = vector.broadcast %convert_element_type3A_107 : f32 to vector<128x1xf32>
      %select_n3A_109 = arith.select %ge3A_106, %broadcast_in_dim3A_108, %broadcast_in_dim3A_102 : vector<128x1xi1>, vector<128x1xf32>
      %convert_element_type3A_110 = arith.fptosi %select_n3A_109 : vector<128x1xf32> to vector<128x1xi32>
      %swap3A_111 = arith.constant 0 : index
      %swap3A_112 = arith.constant 0 : index
      %swap3A_113 = vector.load %arg8[%swap3A_111, %swap3A_112] : memref<128x1xi32, #tpu.memory_space<vmem>>, vector<128x1xi32>
      tpu.vector_store %arg8[%swap3A_111, %swap3A_112], %convert_element_type3A_110 {strides = array<i32>} : memref<128x1xi32, #tpu.memory_space<vmem>>, vector<128x1xi32>,
      %eq3A_114 = arith.constant 0 : i32
      %eq3A_115 = vector.broadcast %eq3A_114 : i32 to vector<1x128xi32>
      %eq3A_116 = arith.cmpi eq, %iota3A_67, %eq3A_115 : vector<1x128xi32>
      %convert_element_type3A_117 = arith.fptosi %mul3A_73 : f32 to i32
      %jit3A_118 = arith.constant 0 : i32
      %broadcast_in_dim3A_119 = vector.broadcast %convert_element_type3A_117 : i32 to vector<1x128xi32>
      %broadcast_in_dim3A_120 = vector.broadcast %jit3A_118 : i32 to vector<1x128xi32>
      %select_n3A_121 = arith.select %eq3A_116, %broadcast_in_dim3A_119, %broadcast_in_dim3A_120 : vector<1x128xi1>, vector<1x128xi32>
      %swap3A_122 = arith.constant 0 : index
      %swap3A_123 = arith.constant 0 : index
      %swap3A_124 = vector.load %arg9[%swap3A_122, %swap3A_123] : memref<1x128xi32, #tpu.memory_space<vmem>>, vector<1x128xi32>
      tpu.vector_store %arg9[%swap3A_122, %swap3A_123], %select_n3A_121 {strides = array<i32>} : memref<1x128xi32, #tpu.memory_space<vmem>>, vector<1x128xi32>,
    } else {
    }
    return
  }
  func.func @transform_0(%arg0: i32) -> (i32, i32) {
    %c0_i32 = arith.constant 0 : i32
    %c0_i32_0 = arith.constant 0 : i32
    %c0_i32_1 = arith.constant 0 : i32
    return %c0_i32, %c0_i32_0 : i32, i32
  }
  func.func @transform_1(%arg0: i32) -> (i32, i32, i32) {
    %c0_i32 = arith.constant 0 : i32
    %c0_i32_0 = arith.constant 0 : i32
    %c0_i32_1 = arith.constant 0 : i32
    return %arg0, %c0_i32, %c0_i32_0 : i32, i32, i32
  }
  func.func @transform_2(%arg0: i32) -> (i32, i32, i32) {
    %c0_i32 = arith.constant 0 : i32
    %c0_i32_0 = arith.constant 0 : i32
    %c0_i32_1 = arith.constant 0 : i32
    return %arg0, %c0_i32, %c0_i32_0 : i32, i32, i32
  }
  func.func @transform_3(%arg0: i32) -> (i32, i32, i32) {
    %c0_i32 = arith.constant 0 : i32
    %c0_i32_0 = arith.constant 0 : i32
    %c0_i32_1 = arith.constant 0 : i32
    return %arg0, %c0_i32, %c0_i32_0 : i32, i32, i32
  }
  func.func @transform_4(%arg0: i32) -> (i32, i32, i32) {
    %c0_i32 = arith.constant 0 : i32
    %c0_i32_0 = arith.constant 0 : i32
    %c0_i32_1 = arith.constant 0 : i32
    return %arg0, %c0_i32, %c0_i32_0 : i32, i32, i32
  }
  func.func @transform_5(%arg0: i32) -> (i32, i32, i32) {
    %c0_i32 = arith.constant 0 : i32
    %c0_i32_0 = arith.constant 0 : i32
    %c0_i32_1 = arith.constant 0 : i32
    return %arg0, %c0_i32, %c0_i32_0 : i32, i32, i32
  }
  func.func @transform_6(%arg0: i32) -> (i32, i32, i32) {
    %c0_i32 = arith.constant 0 : i32
    %c0_i32_0 = arith.constant 0 : i32
    %c0_i32_1 = arith.constant 0 : i32
    return %arg0, %c0_i32, %c0_i32_0 : i32, i32, i32
  }
  func.func @transform_7(%arg0: i32) -> (i32, i32) {
    %c0_i32 = arith.constant 0 : i32
    %c0_i32_0 = arith.constant 0 : i32
    %c0_i32_1 = arith.constant 0 : i32
    return %c0_i32, %c0_i32_0 : i32, i32
  }
  func.func @transform_8(%arg0: i32) -> (i32, i32) {
    %c0_i32 = arith.constant 0 : i32
    %c0_i32_0 = arith.constant 0 : i32
    %c0_i32_1 = arith.constant 0 : i32
    return %c0_i32, %c0_i32_0 : i32, i32
  }
}

module attributes {stable_mosaic.version = 14 : i64} {
  func.func @_k5_body(%arg0: i32, %arg1: memref<128xi32, #tpu.memory_space<smem>>, %arg2: memref<128xi32, #tpu.memory_space<smem>>, %arg3: memref<256x1024xf32, #tpu.memory_space<vmem>>, %arg4: memref<1x1024x1024xf32, #tpu.memory_space<vmem>>, %arg5: memref<1x1x1024xf32, #tpu.memory_space<vmem>>, %arg6: memref<1x1024x1024xf32, #tpu.memory_space<vmem>>, %arg7: memref<1x1x1024xf32, #tpu.memory_space<vmem>>, %arg8: memref<256x1024xf32, #tpu.memory_space<vmem>>) attributes {dimension_semantics = [#tpu.dimension_semantics<arbitrary>], iteration_bounds = array<i64: 24>, scalar_prefetch = 2 : i64, scratch_operands = 0 : i64, tpu.core_type = #tpu.core_type<tc>, window_params = [{transform_indices = @transform_0, window_bounds = array<i64: 256, 1024>}, {transform_indices = @transform_1, window_bounds = array<i64: 1, 1024, 1024>}, {transform_indices = @transform_2, window_bounds = array<i64: 1, 1, 1024>}, {transform_indices = @transform_3, window_bounds = array<i64: 1, 1024, 1024>}, {transform_indices = @transform_4, window_bounds = array<i64: 1, 1, 1024>}, {transform_indices = @transform_5, window_bounds = array<i64: 256, 1024>}]} {
    %get3A = arith.constant 0 : index
    %get3A_0 = memref.load %arg2[%get3A] : memref<128xi32, #tpu.memory_space<smem>>
    %lt3A = arith.cmpi slt, %arg0, %get3A_0 : i32
    %convert_element_type3A = arith.extui %lt3A : i1 to i32
    %cond3A = arith.constant 0 : i32
    %cond3A_1 = arith.cmpi ne, %convert_element_type3A, %cond3A : i32
    scf.if %cond3A_1 {
      %get3A_2 = arith.constant 0 : index
      %get3A_3 = arith.constant 0 : index
      %get3A_4 = vector.load %arg3[%get3A_2, %get3A_3] : memref<256x1024xf32, #tpu.memory_space<vmem>>, vector<256x1024xf32>
      %convert_element_type3A_5 = arith.truncf %get3A_4 : vector<256x1024xf32> to vector<256x1024xbf16>
      %get3A_6 = arith.constant 0 : index
      %get3A_7 = arith.constant 0 : index
      %get3A_8 = arith.constant 0 : index
      %get3A_9 = vector.load %arg4[%get3A_6, %get3A_7, %get3A_8] : memref<1x1024x1024xf32, #tpu.memory_space<vmem>>, vector<1x1024x1024xf32>
      %get3A_10 = vector.shape_cast %get3A_9 : vector<1x1024x1024xf32> to vector<1024x1024xf32>
      %convert_element_type3A_11 = arith.truncf %get3A_10 : vector<1024x1024xf32> to vector<1024x1024xbf16>
      %dot_general3A = arith.constant dense<0.000000e+00> : vector<256x1024xf32>
      %dot_general3A_12 = tpu.matmul %convert_element_type3A_5, %convert_element_type3A_11, %dot_general3A {dimension_numbers = #tpu.dot_dimension_numbers<[1], [0], [0], [1], [0, 0, 1, 1], [], []>, transpose_lhs_hint = false} : vector<256x1024xbf16>, vector<1024x1024xbf16>, vector<256x1024xf32> -> vector<256x1024xf32>
      %get3A_13 = arith.constant 0 : index
      %get3A_14 = arith.constant 0 : index
      %get3A_15 = arith.constant 0 : index
      %get3A_16 = vector.load %arg5[%get3A_13, %get3A_14, %get3A_15] : memref<1x1x1024xf32, #tpu.memory_space<vmem>>, vector<1x1x1024xf32>
      %get3A_17 = vector.shape_cast %get3A_16 : vector<1x1x1024xf32> to vector<1x1024xf32>
      %add3A = vector.broadcast %get3A_17 : vector<1x1024xf32> to vector<256x1024xf32>
      %add3A_18 = arith.addf %dot_general3A_12, %add3A : vector<256x1024xf32>
      %integer_pow3A = arith.mulf %add3A_18, %add3A_18 : vector<256x1024xf32>
      %integer_pow3A_19 = arith.mulf %add3A_18, %integer_pow3A : vector<256x1024xf32>
      %mul3A = arith.constant 4.471500e-02 : f32
      %mul3A_20 = vector.broadcast %mul3A : f32 to vector<256x1024xf32>
      %mul3A_21 = arith.mulf %mul3A_20, %integer_pow3A_19 : vector<256x1024xf32>
      %add3A_22 = arith.addf %add3A_18, %mul3A_21 : vector<256x1024xf32>
      %mul3A_23 = arith.constant 0.797884583 : f32
      %mul3A_24 = vector.broadcast %mul3A_23 : f32 to vector<256x1024xf32>
      %mul3A_25 = arith.mulf %mul3A_24, %add3A_22 : vector<256x1024xf32>
      %tanh3A = math.tanh %mul3A_25 : vector<256x1024xf32>
      %add3A_26 = arith.constant 1.000000e+00 : f32
      %add3A_27 = vector.broadcast %add3A_26 : f32 to vector<256x1024xf32>
      %add3A_28 = arith.addf %add3A_27, %tanh3A : vector<256x1024xf32>
      %mul3A_29 = arith.constant 5.000000e-01 : f32
      %mul3A_30 = vector.broadcast %mul3A_29 : f32 to vector<256x1024xf32>
      %mul3A_31 = arith.mulf %mul3A_30, %add3A_28 : vector<256x1024xf32>
      %mul3A_32 = arith.mulf %add3A_18, %mul3A_31 : vector<256x1024xf32>
      %convert_element_type3A_33 = arith.truncf %mul3A_32 : vector<256x1024xf32> to vector<256x1024xbf16>
      %get3A_34 = arith.constant 0 : index
      %get3A_35 = arith.constant 0 : index
      %get3A_36 = arith.constant 0 : index
      %get3A_37 = vector.load %arg6[%get3A_34, %get3A_35, %get3A_36] : memref<1x1024x1024xf32, #tpu.memory_space<vmem>>, vector<1x1024x1024xf32>
      %get3A_38 = vector.shape_cast %get3A_37 : vector<1x1024x1024xf32> to vector<1024x1024xf32>
      %convert_element_type3A_39 = arith.truncf %get3A_38 : vector<1024x1024xf32> to vector<1024x1024xbf16>
      %dot_general3A_40 = arith.constant dense<0.000000e+00> : vector<256x1024xf32>
      %dot_general3A_41 = tpu.matmul %convert_element_type3A_33, %convert_element_type3A_39, %dot_general3A_40 {dimension_numbers = #tpu.dot_dimension_numbers<[1], [0], [0], [1], [0, 0, 1, 1], [], []>, transpose_lhs_hint = false} : vector<256x1024xbf16>, vector<1024x1024xbf16>, vector<256x1024xf32> -> vector<256x1024xf32>
      %get3A_42 = arith.constant 0 : index
      %get3A_43 = arith.constant 0 : index
      %get3A_44 = arith.constant 0 : index
      %get3A_45 = vector.load %arg7[%get3A_42, %get3A_43, %get3A_44] : memref<1x1x1024xf32, #tpu.memory_space<vmem>>, vector<1x1x1024xf32>
      %get3A_46 = vector.shape_cast %get3A_45 : vector<1x1x1024xf32> to vector<1x1024xf32>
      %add3A_47 = vector.broadcast %get3A_46 : vector<1x1024xf32> to vector<256x1024xf32>
      %add3A_48 = arith.addf %dot_general3A_41, %add3A_47 : vector<256x1024xf32>
      %swap3A = arith.constant 0 : index
      %swap3A_49 = arith.constant 0 : index
      %swap3A_50 = vector.load %arg8[%swap3A, %swap3A_49] : memref<256x1024xf32, #tpu.memory_space<vmem>>, vector<256x1024xf32>
      tpu.vector_store %arg8[%swap3A, %swap3A_49], %add3A_48 {strides = array<i32>} : memref<256x1024xf32, #tpu.memory_space<vmem>>, vector<256x1024xf32>,
    } else {
    }
    return
  }
  func.func @transform_0(%arg0: i32, %arg1: memref<128xi32, #tpu.memory_space<smem>>, %arg2: memref<128xi32, #tpu.memory_space<smem>>) -> (i32, i32) {
    %get3A = arith.constant 0 : index
    %get3A_0 = memref.load %arg2[%get3A] : memref<128xi32, #tpu.memory_space<smem>>
    %sub3A = arith.constant 1 : i32
    %sub3A_1 = arith.subi %get3A_0, %sub3A : i32
    %min3A = arith.minsi %arg0, %sub3A_1 : i32
    %c0_i32 = arith.constant 0 : i32
    %c0_i32_2 = arith.constant 0 : i32
    return %min3A, %c0_i32 : i32, i32
  }
  func.func @transform_1(%arg0: i32, %arg1: memref<128xi32, #tpu.memory_space<smem>>, %arg2: memref<128xi32, #tpu.memory_space<smem>>) -> (i32, i32, i32) {
    %get3A = arith.constant 0 : index
    %get3A_0 = memref.load %arg2[%get3A] : memref<128xi32, #tpu.memory_space<smem>>
    %sub3A = arith.constant 1 : i32
    %sub3A_1 = arith.subi %get3A_0, %sub3A : i32
    %min3A = arith.minsi %arg0, %sub3A_1 : i32
    %get3A_2 = arith.index_cast %min3A : i32 to index
    %get3A_3 = memref.load %arg1[%get3A_2] : memref<128xi32, #tpu.memory_space<smem>>
    %c0_i32 = arith.constant 0 : i32
    %c0_i32_4 = arith.constant 0 : i32
    %c0_i32_5 = arith.constant 0 : i32
    return %get3A_3, %c0_i32, %c0_i32_4 : i32, i32, i32
  }
  func.func @transform_2(%arg0: i32, %arg1: memref<128xi32, #tpu.memory_space<smem>>, %arg2: memref<128xi32, #tpu.memory_space<smem>>) -> (i32, i32, i32) {
    %get3A = arith.constant 0 : index
    %get3A_0 = memref.load %arg2[%get3A] : memref<128xi32, #tpu.memory_space<smem>>
    %sub3A = arith.constant 1 : i32
    %sub3A_1 = arith.subi %get3A_0, %sub3A : i32
    %min3A = arith.minsi %arg0, %sub3A_1 : i32
    %get3A_2 = arith.index_cast %min3A : i32 to index
    %get3A_3 = memref.load %arg1[%get3A_2] : memref<128xi32, #tpu.memory_space<smem>>
    %c0_i32 = arith.constant 0 : i32
    %c0_i32_4 = arith.constant 0 : i32
    %c0_i32_5 = arith.constant 0 : i32
    return %get3A_3, %c0_i32, %c0_i32_4 : i32, i32, i32
  }
  func.func @transform_3(%arg0: i32, %arg1: memref<128xi32, #tpu.memory_space<smem>>, %arg2: memref<128xi32, #tpu.memory_space<smem>>) -> (i32, i32, i32) {
    %get3A = arith.constant 0 : index
    %get3A_0 = memref.load %arg2[%get3A] : memref<128xi32, #tpu.memory_space<smem>>
    %sub3A = arith.constant 1 : i32
    %sub3A_1 = arith.subi %get3A_0, %sub3A : i32
    %min3A = arith.minsi %arg0, %sub3A_1 : i32
    %get3A_2 = arith.index_cast %min3A : i32 to index
    %get3A_3 = memref.load %arg1[%get3A_2] : memref<128xi32, #tpu.memory_space<smem>>
    %c0_i32 = arith.constant 0 : i32
    %c0_i32_4 = arith.constant 0 : i32
    %c0_i32_5 = arith.constant 0 : i32
    return %get3A_3, %c0_i32, %c0_i32_4 : i32, i32, i32
  }
  func.func @transform_4(%arg0: i32, %arg1: memref<128xi32, #tpu.memory_space<smem>>, %arg2: memref<128xi32, #tpu.memory_space<smem>>) -> (i32, i32, i32) {
    %get3A = arith.constant 0 : index
    %get3A_0 = memref.load %arg2[%get3A] : memref<128xi32, #tpu.memory_space<smem>>
    %sub3A = arith.constant 1 : i32
    %sub3A_1 = arith.subi %get3A_0, %sub3A : i32
    %min3A = arith.minsi %arg0, %sub3A_1 : i32
    %get3A_2 = arith.index_cast %min3A : i32 to index
    %get3A_3 = memref.load %arg1[%get3A_2] : memref<128xi32, #tpu.memory_space<smem>>
    %c0_i32 = arith.constant 0 : i32
    %c0_i32_4 = arith.constant 0 : i32
    %c0_i32_5 = arith.constant 0 : i32
    return %get3A_3, %c0_i32, %c0_i32_4 : i32, i32, i32
  }
  func.func @transform_5(%arg0: i32, %arg1: memref<128xi32, #tpu.memory_space<smem>>, %arg2: memref<128xi32, #tpu.memory_space<smem>>) -> (i32, i32) {
    %get3A = arith.constant 0 : index
    %get3A_0 = memref.load %arg2[%get3A] : memref<128xi32, #tpu.memory_space<smem>>
    %sub3A = arith.constant 1 : i32
    %sub3A_1 = arith.subi %get3A_0, %sub3A : i32
    %min3A = arith.minsi %arg0, %sub3A_1 : i32
    %c0_i32 = arith.constant 0 : i32
    %c0_i32_2 = arith.constant 0 : i32
    return %min3A, %c0_i32 : i32, i32
  }
}

module attributes {stable_mosaic.version = 14 : i64} {
  func.func @_k7_body(%arg0: i32, %arg1: memref<256x1024xf32, #tpu.memory_space<vmem>>, %arg2: memref<256x1024xf32, #tpu.memory_space<vmem>>, %arg3: memref<256x1024xf32, #tpu.memory_space<vmem>>, %arg4: memref<1x256x1xf32, #tpu.memory_space<vmem>>, %arg5: memref<1x256x1xf32, #tpu.memory_space<vmem>>, %arg6: memref<256x1024xf32, #tpu.memory_space<vmem>>) attributes {dimension_semantics = [#tpu.dimension_semantics<arbitrary>], iteration_bounds = array<i64: 8>, scalar_prefetch = 0 : i64, scratch_operands = 0 : i64, tpu.core_type = #tpu.core_type<tc>, window_params = [{transform_indices = @transform_0, window_bounds = array<i64: 256, 1024>}, {transform_indices = @transform_1, window_bounds = array<i64: 256, 1024>}, {transform_indices = @transform_2, window_bounds = array<i64: 256, 1024>}, {transform_indices = @transform_3, window_bounds = array<i64: 1, 256, 1>}, {transform_indices = @transform_4, window_bounds = array<i64: 1, 256, 1>}, {transform_indices = @transform_5, window_bounds = array<i64: 256, 1024>}]} {
    %get3A = arith.constant 0 : index
    %get3A_0 = arith.constant 0 : index
    %get3A_1 = arith.constant 0 : index
    %get3A_2 = vector.load %arg4[%get3A, %get3A_0, %get3A_1] : memref<1x256x1xf32, #tpu.memory_space<vmem>>, vector<1x256x1xf32>
    %reshape3A = vector.shape_cast %get3A_2 : vector<1x256x1xf32> to vector<256x1xf32>
    %get3A_3 = arith.constant 0 : index
    %get3A_4 = arith.constant 0 : index
    %get3A_5 = arith.constant 0 : index
    %get3A_6 = vector.load %arg5[%get3A_3, %get3A_4, %get3A_5] : memref<1x256x1xf32, #tpu.memory_space<vmem>>, vector<1x256x1xf32>
    %reshape3A_7 = vector.shape_cast %get3A_6 : vector<1x256x1xf32> to vector<256x1xf32>
    %get3A_8 = arith.constant 0 : index
    %get3A_9 = arith.constant 0 : index
    %get3A_10 = vector.load %arg1[%get3A_8, %get3A_9] : memref<256x1024xf32, #tpu.memory_space<vmem>>, vector<256x1024xf32>
    %get3A_11 = arith.constant 0 : index
    %get3A_12 = arith.constant 0 : index
    %get3A_13 = vector.load %arg2[%get3A_11, %get3A_12] : memref<256x1024xf32, #tpu.memory_space<vmem>>, vector<256x1024xf32>
    %mul3A = vector.broadcast %reshape3A : vector<256x1xf32> to vector<256x1024xf32>
    %mul3A_14 = arith.mulf %mul3A, %get3A_13 : vector<256x1024xf32>
    %add3A = arith.addf %get3A_10, %mul3A_14 : vector<256x1024xf32>
    %get3A_15 = arith.constant 0 : index
    %get3A_16 = arith.constant 0 : index
    %get3A_17 = vector.load %arg3[%get3A_15, %get3A_16] : memref<256x1024xf32, #tpu.memory_space<vmem>>, vector<256x1024xf32>
    %mul3A_18 = vector.broadcast %reshape3A_7 : vector<256x1xf32> to vector<256x1024xf32>
    %mul3A_19 = arith.mulf %mul3A_18, %get3A_17 : vector<256x1024xf32>
    %add3A_20 = arith.addf %add3A, %mul3A_19 : vector<256x1024xf32>
    %swap3A = arith.constant 0 : index
    %swap3A_21 = arith.constant 0 : index
    %swap3A_22 = vector.load %arg6[%swap3A, %swap3A_21] : memref<256x1024xf32, #tpu.memory_space<vmem>>, vector<256x1024xf32>
    tpu.vector_store %arg6[%swap3A, %swap3A_21], %add3A_20 {strides = array<i32>} : memref<256x1024xf32, #tpu.memory_space<vmem>>, vector<256x1024xf32>,
    return
  }
  func.func @transform_0(%arg0: i32) -> (i32, i32) {
    %c0_i32 = arith.constant 0 : i32
    %c0_i32_0 = arith.constant 0 : i32
    return %arg0, %c0_i32 : i32, i32
  }
  func.func @transform_1(%arg0: i32) -> (i32, i32) {
    %c0_i32 = arith.constant 0 : i32
    %c0_i32_0 = arith.constant 0 : i32
    return %arg0, %c0_i32 : i32, i32
  }
  func.func @transform_2(%arg0: i32) -> (i32, i32) {
    %c0_i32 = arith.constant 0 : i32
    %c0_i32_0 = arith.constant 0 : i32
    return %arg0, %c0_i32 : i32, i32
  }
  func.func @transform_3(%arg0: i32) -> (i32, i32, i32) {
    %c0_i32 = arith.constant 0 : i32
    %c0_i32_0 = arith.constant 0 : i32
    %c0_i32_1 = arith.constant 0 : i32
    return %arg0, %c0_i32, %c0_i32_0 : i32, i32, i32
  }
  func.func @transform_4(%arg0: i32) -> (i32, i32, i32) {
    %c0_i32 = arith.constant 0 : i32
    %c0_i32_0 = arith.constant 0 : i32
    %c0_i32_1 = arith.constant 0 : i32
    return %arg0, %c0_i32, %c0_i32_0 : i32, i32, i32
  }
  func.func @transform_5(%arg0: i32) -> (i32, i32) {
    %c0_i32 = arith.constant 0 : i32
    %c0_i32_0 = arith.constant 0 : i32
    return %arg0, %c0_i32 : i32, i32
  }
}

</mosaic_0001>

<sc_bundles>
// kernel: kernel.10.cloned.1.call-start
scs
__scs_entry_jumppad:
0x0: {  	(pc) =	sbr.rel $0x88, $3  }
0x1: {  	(tag) =	ssettag $0x0;
	lr =	simm.s32 $0x1  }
0x2: {  	[smem:$0x3F94] =	sst lr;
	_ =	strace $0xD0000000  }
0x3: {  	_ = 	snop  }
0x4: {  	_ = 	snop  }
0x5: {  	_ = 	snop  }
0x6: {  	_ = 	snop  }
0x7: {  	_ = 	snop  }
__scs_overlays_trampoline_lowered:
0x8: {  	[smem:$0x3FA3] =	sst s0  }
0x9: {  	[smem:$0x3FA4] =	sst s1  }
0xa: {  	[smem:$0x3FA5] =	sst s2  }
0xb: {  	[smem:$0x3FA6] =	sst s3  }
0xc: {  	[smem:$0x3FA7] =	sst s4  }
0xd: {  	[smem:$0x3FA8] =	sst s5  }
0xe: {  	[smem:$0x3FA9] =	sst s6  }
0xf: {  	[smem:$0x3FAA] =	sst s7  }
0x10: {  	[smem:$0x3FAB] =	sst s8  }
0x11: {  	[smem:$0x3FAC] =	sst s9;
	s0 =	simm.s32 @!p0 $0x0  }
0x12: {  	s1 =	sld [smem:$0x3F92];
	s0 =	simm.s32 @p0 $0x1  }
0x13: {  	[smem:$0x3FAD] =	sst s0;
	s0 =	simm.s32 @!p1 $0x0  }
0x14: {  	s2 =	sld [smem:$0x3F91];
	s0 =	simm.s32 @p1 $0x1  }
0x15: {  	[smem:$0x3FAE] =	sst s0;
	s0 =	simm.s32 @!p2 $0x0  }
0x16: {  	s3 =	sld [smem:$0x3FDB];
	s0 =	simm.s32 @p2 $0x1  }
0x17: {  	s4 =	simm.s32 $0x1BF5;
	[smem:$0x3FB0] =	sst s0  }
0x18: {  	s0 =	sld [smem:$0x3F93];
	_ =	swait.ge [sflag:s4], $0x0  }
0x19: {  	s7 =	sld [smem:$0x3F94]  }
0x1a: {  	s8 =	sadd.s32 $0xFFFFE003, lr  }
0x1b: {  	s9 =	sadd.s32 $0xFFFFFEF7, lr;
	s5 =	simm.s32 $0xFFFFFFFF;
	p2 =	slt.u32 s8, $0xFFFFF086  }
0x1c: {  	p1 =	slt.u32 s9, $0xF7A;
	s5 =	simm.s32 @!p2 $0x0  }
0x1d: {  	s5 =	simm.s32 @p1 $0x1;
	p0 =	seq.s32 s7, s2  }
0x1e: {  	s7 =	smul.u32 @!p0 $0xF7A, s2;
	p2 =	seq.s32 @!p0 s5, $0x0  }
0x1f: {  	s9 =	smul.u32 $0xF7A, s1;
	s8 =	simm.s32 @!p0 $0x1BF5;
	p2 =	por !p2, p0  }
0x20: {  	[sflag:s8] =	ssyncset.s32 @!p0 $0xFFFFF086;
	s6 =	sadd.s32 @!p0 s3, s7;
	s7 =	simm.s32 @!p0 $0x108  }
0x21: {  	s3 =	sadd.s32 s3, s9;
	s6 =	sadd.s32 @!p0 $0x88, s6;
	s7 =	simm.s32 @p2 $0x1082  }
0x22: {  	[simem:s7], [sflag:s8] =	dma.local @!p0 [hbm:s6], $0xF7A  }
0x23: {  	s9 =	sor.u32 $0xD0000000, s2;
	s6 =	simm.s32 $0x108;
	_ =	swait.ge @!p0 [sflag:s8], $0x0  }
0x24: {  	s3 =	sadd.s32 $0x88, s3;
	s6 =	simm.s32 @!p1 $0x1082;
	[sflag:s4] =	ssyncset.s32 $0xFFFFF086  }
0x25: {  	[simem:s6], [sflag:s4] =	dma.local [hbm:s3], $0xF7A  }
0x26: {  	[smem:$0x3F94] =	sst s1;
	(tag) =	ssettag s2;
	_ =	strace s9  }
0x27: {  	s1 =	sld [smem:$0x3FA4]  }
0x28: {  	s2 =	sld [smem:$0x3FA5]  }
0x29: {  	s4 =	sld [smem:$0x3FA7]  }
0x2a: {  	p0 =	seq.s32 s5, $0x0;
	s5 =	sld [smem:$0x3FA8]  }
0x2b: {  	s6 =	sld [smem:$0x3FA9]  }
0x2c: {  	s7 =	sld [smem:$0x3FAA]  }
0x2d: {  	s3 =	simm.s32 $0x108;
	s8 =	sld [smem:$0x3FAB]  }
0x2e: {  	s3 =	simm.s32 @!p0 $0x1082;
	s9 =	sld [smem:$0x3FAC]  }
0x2f: {  	lr =	sadd.s32 s0, s3;
	s0 =	sld [smem:$0x3FA3]  }
0x30: {  	s3 =	sld [smem:$0x3FA6]  }
0x31: {  	[smem:$0x3FAF] =	sst s10  }
0x32: {  	s10 =	sld [smem:$0x3FAD];
	_ =	sdelay $0x3  }
0x33: {  	p0 =	seq.s32 s10, $0x1;
	s10 =	sld [smem:$0x3FAF];
	_ =	sdelay $0x3  }
0x34: {  	[smem:$0x3FAF] =	sst s10  }
0x35: {  	s10 =	sld [smem:$0x3FAE];
	_ =	sdelay $0x3  }
0x36: {  	p1 =	seq.s32 s10, $0x1;
	s10 =	sld [smem:$0x3FAF];
	_ =	sdelay $0x3  }
0x37: {  	[smem:$0x3FAF] =	sst s10  }
0x38: {  	s10 =	sld [smem:$0x3FB0]  }
0x39: {  	_ = 	snop;
	(pc) =	sbr.ind lr, $3  }
0x3a: {  	_ = 	snop  }
0x3b: {  	_ = 	snop  }
0x3c: {  	p2 =	seq.s32 s10, $0x1;
	s10 =	sld [smem:$0x3FAF]  }
0x3d: {  	_ =	shalt  }
0x3e: {  	_ =	shalt  }
0x3f: {  	_ =	shalt  }
0x40: {  	_ =	shalt  }
0x41: {  	_ =	shalt  }
0x42: {  	_ =	shalt  }
0x43: {  	_ =	shalt  }
0x44: {  	_ =	shalt  }
0x45: {  	_ =	shalt  }
0x46: {  	_ =	shalt  }
0x47: {  	_ =	shalt  }
0x48: {  	_ =	shalt  }
0x49: {  	_ =	shalt  }
0x4a: {  	_ =	shalt  }
0x4b: {  	_ =	shalt  }
0x4c: {  	_ =	shalt  }
0x4d: {  	_ =	shalt  }
0x4e: {  	_ =	shalt  }
0x4f: {  	_ =	shalt  }
0x50: {  	_ =	shalt  }
0x51: {  	_ =	shalt  }
0x52: {  	_ =	shalt  }
0x53: {  	_ =	shalt  }
0x54: {  	_ =	shalt  }
0x55: {  	_ =	shalt  }
0x56: {  	_ =	shalt  }
0x57: {  	_ =	shalt  }
0x58: {  	_ =	shalt  }
0x59: {  	_ =	shalt  }
0x5a: {  	_ =	shalt  }
0x5b: {  	_ =	shalt  }
0x5c: {  	_ =	shalt  }
0x5d: {  	_ =	shalt  }
0x5e: {  	_ =	shalt  }
0x5f: {  	_ =	shalt  }
0x60: {  	_ =	shalt  }
0x61: {  	_ =	shalt  }
0x62: {  	_ =	shalt  }
0x63: {  	_ =	shalt  }
0x64: {  	_ =	shalt  }
0x65: {  	_ =	shalt  }
0x66: {  	_ =	shalt  }
0x67: {  	_ =	shalt  }
0x68: {  	_ =	shalt  }
0x69: {  	_ =	shalt  }
0x6a: {  	_ =	shalt  }
0x6b: {  	_ =	shalt  }
0x6c: {  	_ =	shalt  }
0x6d: {  	_ =	shalt  }
0x6e: {  	_ =	shalt  }
0x6f: {  	_ =	shalt  }
0x70: {  	_ =	shalt  }
0x71: {  	_ =	shalt  }
0x72: {  	_ =	shalt  }
0x73: {  	_ =	shalt  }
0x74: {  	_ =	shalt  }
0x75: {  	_ =	shalt  }
0x76: {  	_ =	shalt  }
0x77: {  	_ =	shalt  }
0x78: {  	_ =	shalt  }
0x79: {  	_ =	shalt  }
0x7a: {  	_ =	shalt  }
0x7b: {  	_ =	shalt  }
0x7c: {  	_ =	shalt  }
0x7d: {  	_ =	shalt  }
0x7e: {  	_ =	shalt  }
0x7f: {  	_ =	shalt  }
0x80: {  	_ =	shalt  }
0x81: {  	_ =	shalt  }
0x82: {  	_ =	shalt  }
0x83: {  	_ =	shalt  }
0x84: {  	_ =	shalt  }
0x85: {  	_ =	shalt  }
0x86: {  	_ =	shalt  }
0x87: {  	_ =	shalt  }
.Lfunc_end0:
.L_simem_size_0:
called_computation_lowered:
.L_overlay_start_0:
0x88: {  	s2 =	sld [smem:$0x3FD9]  }
0x89: {  	s3 =	sld [smem:$0x3FFE];
	_ =	sdelay $0x1  }
0x8a: {  	s1 =	srdreg.scid  }
0x8b: {  	s0 =	sand.u32 $0x1, s1  }
0x8c: {  	s16 =	sshll.u32 s0, $0xA;
	s2 =	sadd.s32 s3, s2  }
0x8d: {  	s2 =	sadd.s32 s2, s16  }
0x8e: {  	[smem:$0x3FBB] =	sst s2  }
0x8f: {  	_ = 	snop  }
0x90: {  	(tm) =	ssettm $0x1  }
0x91: {  	s17 =	sld [smem:$0x3FFB];
	_ =	sdelay $0x3  }
0x92: {  	_ =	strace s17  }
0x93: {  	s2 =	sld [smem:$0x3FFC];
	_ =	sdelay $0x3  }
0x94: {  	_ =	strace s2  }
0x95: {  	s2 =	sld [smem:$0x3FFD];
	_ =	sdelay $0x3  }
0x96: {  	_ =	strace s2  }
0x97: {  	_ =	strace $0x8FFFFFFF  }
0x98: {  	s18 =	sld [smem:$0x3FDB];
	_ =	sdelay $0x1  }
0x99: {  	s19 =	simm.s32 $_scs_section_size  }
0x9a: {  	s4 =	simm.s32 $_size__tile_overlayer_lowered;
	s5 =	simm.s32 $_tile_overlayer_lowered  }
0x9b: {  	s22 =	simm.s32 $0x1BFF;
	s21 =	sshll.u32 s5, $0x1;
	s2 =	sadd.s32 s19, s18  }
0x9c: {  	s6 =	simm.s32 $0x0;
	s20 =	sshll.u32 s4, $0x1;
	s4 =	sadd.s32 s21, s2  }
0x9d: {  	[timem:s6], [sflag:s22] =	dma.local [hbm:s4], s20  }
0x9e: {  	_ =	swait.ge [sflag:s22], s20  }
0x9f: {  	s3 =	ssub.s32 $0x0, s20;
	[sflag:s22] =	ssyncset.done $0x0  }
0xa0: {  	[sflag:s22] =	ssyncadd.s32 s3;
	_ =	sdelay $0x1  }
0xa1: {  	s23 =	simm.s32 $0x1B8B  }
0xa2: {  	_ =	swait.ge [sflag:s23], $0x1  }
0xa3: {  	[sflag:s23] =	ssyncset.done $0x0  }
0xa4: {  	s25 =	simm.s32 $0x1B8E;
	s24 =	sld [smem:$0x3FFE];
	[sflag:s23] =	ssyncadd.s32 $0xFFFFFFFF  }
0xa5: {  	s26 =	simm.s32 $execute0_lowered;
	[smem:$0x3FD2] =	sst s25  }
0xa6: {  	s4 =	sshll.u32 s26, $0x1;
	_ =	strace $0x80000046;
	[dreg:$0x1] =	wrdreg $0xFFFFFFFF  }
0xa7: {  	s28 =	simm.s32 $_size_execute0_lowered;
	s2 =	sadd.s32 s2, s4;
	[dreg:$0x0] =	wrdreg $0x0  }
0xa8: {  	s4 =	sshll.u32 s28, $0x1;
	[dreg:$0x2] =	wrdreg s2  }
0xa9: {  	[dreg:$0x3] =	wrdreg s4  }
0xaa: {  	[dreg:$0x4] =	wrdreg $0xC0  }
0xab: {  	_ =	task [dreg:s6], $0x5FFFF  }
0xac: {  	[dreg:$0x1] =	wrdreg $0xFFFFFFFF  }
0xad: {  	[dreg:$0x0] =	wrdreg $0x60  }
0xae: {  	[dreg:$0x2] =	wrdreg s24  }
0xaf: {  	[dreg:$0x3] =	wrdreg $0x9  }
0xb0: {  	_ =	task.clear_ibuf [dreg:s6], $0x4FFFF;
	_ =	strace $0x90000046  }
0xb1: {  	s29 =	simm.s32 $0x9;
	_ =	strace $0x80000048  }
0xb2: {  	_ =	swait.ge [sflag:s29], $0x1  }
0xb3: {  	[sflag:s29] =	ssyncadd.s32 $0xFFFFFFFF  }
0xb4: {  	_ =	strace $0x90000048  }
0xb5: {  	_ =	sfence  }
0xb6: {  	s30 =	sld [smem:$0x0];
	_ =	sdelay $0x2  }
0xb7: {  	s31 =	sshll.u32 s1, $0xD;
	s1 =	sshrl.u32 s1, $0x2  }
0xb8: {  	s3 =	sand.u32 $0x4000, s31;
	s1 =	sadd.s32 s1, s30  }
0xb9: {  	s0 =	sor.u32 s3, s0;
	s1 =	sshll.u32 s1, $0x11  }
0xba: {  	s0 =	sor.u32 s1, s0  }
0xbb: {  	s0 =	sadd.s32 $0x8F2B, s0  }
0xbc: {  	[sflag:s0] =	ssyncadd.remote.s32 $0x1  }
0xbd: {  	_ =	sfence.sel $0xFFFF  }
0xbe: {  	[dreg:$0x0] =	wrdreg $0xFFFFFFFF;
	(pc) =	sbr.abs _section_cstart, $3  }
0xbf: {  	[dreg:$0x1] =	wrdreg $0xFFFFFFFF  }
0xc0: {  	_ =	task.clear_ibuf [dreg:s6], $0x2FFFF;
	_ =	strace $0x9FFFFFFF  }
0xc1: {  	(tm) =	ssettm $0x7FFFFFFF  }
tec
execute0_lowered:
.L_overlay_start_1:
0x0: {  	(tag) =	ssettag $0x1  }
0x1: {  	s0 =	srdreg.scid  }
0x2: {  	s2 =	stileid.u32;
	s1 =	rddreg [dreg:$0x0]  }
0x3: {  	s26 =	simm.s32 $0x80;
	s10 =	simm.s32 $0x1;
	s9 =	simm.s32 $0x100  }
0x4: {  	s22 =	simm.s32 $0x1900;
	s23 =	simm.s32 $0x2100;
	s28 =	simm.s32 $0x4100  }
0x5: {  	s29 =	simm.s32 $0x4900;
	s30 =	simm.s32 $0x5100;
	s31 =	simm.s32 $0x5900  }
0x6: {  	s11 =	simm.s32 $0x7100;
	s12 =	simm.s32 $0x7900;
	s13 =	simm.s32 $0x8100  }
0x7: {  	s14 =	simm.s32 $0x8900;
	s15 =	simm.s32 $0x9100;
	s16 =	simm.s32 $0x9900  }
0x8: {  	s17 =	simm.s32 $0xA100;
	s18 =	simm.s32 $0xA900;
	s19 =	simm.s32 $0xB100  }
0x9: {  	s0 =	sand.u32 $0x1, s0;
	s3 =	sshll.u32 s2, $0x7;
	s2 =	simm.s32 $0x0  }
0xa: {  	s8 =	simm.s32 $0xB900;
	s4 =	sshll.u32 s0, $0x6;
	[smem:$0x7FF] =	sst s2  }
0xb: {  	s0 =	ssub.s32 $0x2, s0;
	s3 =	sor.u32 s4, s3;
	_ =	strace $0x80000047  }
0xc: {  	s6 =	sshrl.u32 s0, $0x1;
	[dreg:$0x5] =	wrdreg s26;
	s4 =	sshll.u32 s3, $0x7  }
0xd: {  	s26 =	simm.s32 $0x3900;
	s3 =	sshrl.u32 s3, $0x3;
	s4 =	sadd.s32 s4, s1  }
0xe: {  	s0 =	ssub.s32 s0, s6;
	s5 =	sadd.s32 s3, s1;
	s4 =	sadd.s32 $0x1A00, s4  }
0xf: {  	s6 =	sadd.s32 $0x42100, s1;
	s24 =	sadd.s32 $0x41A00, s5;
	[dreg:$0x2] =	wrdreg s4  }
0x10: {  	v2 =	vlaneseq.u32;
	s3 =	sadd.s32 $0x41E00, s1;
	s25 =	sadd.s32 $0x41C00, s5;
	[dreg:$0x3] =	wrdreg s24  }
0x11: {  	vm0 =	vmmov $0xffff;
	v1 =	vshrl.u32 v2, $0x3;
	s7 =	smax.u32 s0, $0x1;
	s5 =	sadd.s32 $0x42000, s1;
	[dreg:$0x4] =	wrdreg s25  }
0x12: {  	v0 =	vand.u32 $0x7, v2;
	v2 =	vor.u32 $0x8, v2;
	v1 =	vmul.u32 $0x8, v1;
	s4 =	sadd.s32 $0x41F00, s1;
	s24 =	simm.s32 $0x2900;
	s25 =	simm.s32 $0x3100  }
.LBB2_1:
0x13: {  	s20 =	rddreg [dreg:$0x2]  }
0x14: {  	[tilespmem:s9], [sflag:$0x1] =	stream.linear.gather [hbm4b:s20+s2], $0x10000, $0x38;
	[tilespmem:$0x10100] =	vst v63  }
0x15: {  	s21 =	rddreg [dreg:$0x3];
	s0 =	simm.s32 $0x2  }
0x16: {  	[tilespmem:s2], [sflag:$0x2] =	stream.linear.gather [hbm4b:s21+s2], $0x40, $0x38;
	[tilespmem:$0x10100] =	vst v63  }
0x17: {  	_ =	swait.ge [sflag:s0], $0x40  }
0x18: {  	s21 =	rddreg [dreg:$0x4];
	[sflag:s0] =	ssyncset.done $0x0  }
0x19: {  	s1 =	rddreg [dreg:$0x5];
	[sflag:s0] =	ssyncadd.s32 $0xFFFFFFC0  }
0x1a: {  	[tilespmem:s1], [sflag:$0x2] =	stream.linear.gather [hbm4b:s21+s2], $0x40, $0x38;
	[tilespmem:$0x10100] =	vst v63  }
0x1b: {  	_ =	swait.ge [sflag:s0], $0x40  }
0x1c: {  	[sflag:s0] =	ssyncset.done $0x0  }
0x1d: {  	[sflag:s0] =	ssyncadd.s32 $0xFFFFFFC0  }
0x1e: {  	_ =	swait.ge [sflag:s10], $0x10000  }
0x1f: {  	[sflag:s10] =	ssyncset.done $0x0  }
0x20: {  	[sflag:s10] =	ssyncadd.s32 $0xFFFF0000  }
0x21: {  	v3 =	vld [tilespmem:$0x0];
	_ =	sdelay $0x4  }
0x22: {  	v4 =	vshll.u32 v3, $0x3  }
0x23: {  	v3 =	vand.u32 $0x7, v3;
	v4 =	vand.u32 $0xFFFFFFC0, v4  }
0x24: {  	v3 =	vor.u32 v3, v4  }
0x25: {  	v4 =	vperm.xlane v3, v0;
	_ =	sdelay $0x1  }
0x26: {  	v4 =	vadd.s32 v1, v4;
	_ =	sdelay $0x4  }
0x27: {  	[hbm4b:s3+s2] =	stream.indirect_vreg.scatter [tilespmem:s9], [sflag:$0x1], $0x80, v4, vm0, $0xb8;
	[tilespmem:$0x10100] =	vst v63  }
0x28: {  	s20 =	simm.s32 $0x900;
	v3 =	vperm.xlane v3, v2  }
0x29: {  	[hbm4b:s4+s2] =	stream.indirect_vreg.scatter [tilespmem:s20], [sflag:$0x1], $0x80, v4, vm0, $0xb8;
	[tilespmem:$0x10100] =	vst v63  }
0x2a: {  	s21 =	simm.s32 $0x1100;
	v3 =	vadd.s32 v1, v3  }
0x2b: {  	[hbm4b:s5+s2] =	stream.indirect_vreg.scatter [tilespmem:s21], [sflag:$0x1], $0x80, v4, vm0, $0xb8;
	[tilespmem:$0x10100] =	vst v63  }
0x2c: {  	_ = 	snop  }
0x2d: {  	[hbm4b:s6+s2] =	stream.indirect_vreg.scatter [tilespmem:s22], [sflag:$0x1], $0x80, v4, vm0, $0xb8;
	[tilespmem:$0x10100] =	vst v63  }
0x2e: {  	_ = 	snop  }
0x2f: {  	[hbm4b:s3+s2] =	stream.indirect_vreg.scatter [tilespmem:s23], [sflag:$0x1], $0x80, v3, vm0, $0xb8;
	[tilespmem:$0x10100] =	vst v63  }
0x30: {  	_ = 	snop  }
0x31: {  	[hbm4b:s4+s2] =	stream.indirect_vreg.scatter [tilespmem:s24], [sflag:$0x1], $0x80, v3, vm0, $0xb8;
	[tilespmem:$0x10100] =	vst v63  }
0x32: {  	_ = 	snop  }
0x33: {  	[hbm4b:s5+s2] =	stream.indirect_vreg.scatter [tilespmem:s25], [sflag:$0x1], $0x80, v3, vm0, $0xb8;
	[tilespmem:$0x10100] =	vst v63  }
0x34: {  	_ = 	snop  }
0x35: {  	[hbm4b:s6+s2] =	stream.indirect_vreg.scatter [tilespmem:s26], [sflag:$0x1], $0x80, v3, vm0, $0xb8;
	[tilespmem:$0x10100] =	vst v63  }
0x36: {  	v3 =	vld [tilespmem:$0x10];
	_ =	sdelay $0x4  }
0x37: {  	v57 =	vshll.u32 v3, $0x3  }
0x38: {  	v3 =	vand.u32 $0x7, v3;
	v4 =	vand.u32 $0xFFFFFFC0, v57  }
0x39: {  	v3 =	vor.u32 v3, v4  }
0x3a: {  	v4 =	vperm.xlane v3, v0;
	_ =	sdelay $0x1  }
0x3b: {  	v4 =	vadd.s32 v1, v4;
	_ =	sdelay $0x4  }
0x3c: {  	[hbm4b:s3+s2] =	stream.indirect_vreg.scatter [tilespmem:s28], [sflag:$0x1], $0x80, v4, vm0, $0xb8;
	[tilespmem:$0x10100] =	vst v63  }
0x3d: {  	v3 =	vperm.xlane v3, v2  }
0x3e: {  	[hbm4b:s4+s2] =	stream.indirect_vreg.scatter [tilespmem:s29], [sflag:$0x1], $0x80, v4, vm0, $0xb8;
	[tilespmem:$0x10100] =	vst v63  }
0x3f: {  	v3 =	vadd.s32 v1, v3  }
0x40: {  	[hbm4b:s5+s2] =	stream.indirect_vreg.scatter [tilespmem:s30], [sflag:$0x1], $0x80, v4, vm0, $0xb8;
	[tilespmem:$0x10100] =	vst v63  }
0x41: {  	_ = 	snop  }
0x42: {  	[hbm4b:s6+s2] =	stream.indirect_vreg.scatter [tilespmem:s31], [sflag:$0x1], $0x80, v4, vm0, $0xb8;
	[tilespmem:$0x10100] =	vst v63  }
0x43: {  	s1 =	simm.s32 $0x6100  }
0x44: {  	[hbm4b:s3+s2] =	stream.indirect_vreg.scatter [tilespmem:s1], [sflag:$0x1], $0x80, v3, vm0, $0xb8;
	[tilespmem:$0x10100] =	vst v63  }
0x45: {  	s0 =	simm.s32 $0x6900  }
0x46: {  	[hbm4b:s4+s2] =	stream.indirect_vreg.scatter [tilespmem:s0], [sflag:$0x1], $0x80, v3, vm0, $0xb8;
	[tilespmem:$0x10100] =	vst v63  }
0x47: {  	_ = 	snop  }
0x48: {  	[hbm4b:s5+s2] =	stream.indirect_vreg.scatter [tilespmem:s11], [sflag:$0x1], $0x80, v3, vm0, $0xb8;
	[tilespmem:$0x10100] =	vst v63  }
0x49: {  	_ = 	snop  }
0x4a: {  	[hbm4b:s6+s2] =	stream.indirect_vreg.scatter [tilespmem:s12], [sflag:$0x1], $0x80, v3, vm0, $0xb8;
	[tilespmem:$0x10100] =	vst v63  }
0x4b: {  	v3 =	vld [tilespmem:$0x20];
	_ =	sdelay $0x4  }
0x4c: {  	v58 =	vshll.u32 v3, $0x3  }
0x4d: {  	v3 =	vand.u32 $0x7, v3;
	v4 =	vand.u32 $0xFFFFFFC0, v58  }
0x4e: {  	v3 =	vor.u32 v3, v4  }
0x4f: {  	v4 =	vperm.xlane v3, v0;
	_ =	sdelay $0x1  }
0x50: {  	v4 =	vadd.s32 v1, v4;
	_ =	sdelay $0x4  }
0x51: {  	[hbm4b:s3+s2] =	stream.indirect_vreg.scatter [tilespmem:s13], [sflag:$0x1], $0x80, v4, vm0, $0xb8;
	[tilespmem:$0x10100] =	vst v63  }
0x52: {  	v3 =	vperm.xlane v3, v2  }
0x53: {  	[hbm4b:s4+s2] =	stream.indirect_vreg.scatter [tilespmem:s14], [sflag:$0x1], $0x80, v4, vm0, $0xb8;
	[tilespmem:$0x10100] =	vst v63  }
0x54: {  	v3 =	vadd.s32 v1, v3  }
0x55: {  	[hbm4b:s5+s2] =	stream.indirect_vreg.scatter [tilespmem:s15], [sflag:$0x1], $0x80, v4, vm0, $0xb8;
	[tilespmem:$0x10100] =	vst v63  }
0x56: {  	_ = 	snop  }
0x57: {  	[hbm4b:s6+s2] =	stream.indirect_vreg.scatter [tilespmem:s16], [sflag:$0x1], $0x80, v4, vm0, $0xb8;
	[tilespmem:$0x10100] =	vst v63  }
0x58: {  	_ = 	snop  }
0x59: {  	[hbm4b:s3+s2] =	stream.indirect_vreg.scatter [tilespmem:s17], [sflag:$0x1], $0x80, v3, vm0, $0xb8;
	[tilespmem:$0x10100] =	vst v63  }
0x5a: {  	_ = 	snop  }
0x5b: {  	[hbm4b:s4+s2] =	stream.indirect_vreg.scatter [tilespmem:s18], [sflag:$0x1], $0x80, v3, vm0, $0xb8;
	[tilespmem:$0x10100] =	vst v63  }
0x5c: {  	_ = 	snop  }
0x5d: {  	[hbm4b:s5+s2] =	stream.indirect_vreg.scatter [tilespmem:s19], [sflag:$0x1], $0x80, v3, vm0, $0xb8;
	[tilespmem:$0x10100] =	vst v63  }
0x5e: {  	_ = 	snop  }
0x5f: {  	[hbm4b:s6+s2] =	stream.indirect_vreg.scatter [tilespmem:s8], [sflag:$0x1], $0x80, v3, vm0, $0xb8;
	[tilespmem:$0x10100] =	vst v63  }
0x60: {  	v3 =	vld [tilespmem:$0x30];
	_ =	sdelay $0x4  }
0x61: {  	v59 =	vshll.u32 v3, $0x3  }
0x62: {  	v3 =	vand.u32 $0x7, v3;
	v4 =	vand.u32 $0xFFFFFFC0, v59  }
0x63: {  	v3 =	vor.u32 v3, v4  }
0x64: {  	v4 =	vperm.xlane v3, v0;
	_ =	sdelay $0x1  }
0x65: {  	v4 =	vadd.s32 v1, v4;
	_ =	sdelay $0x3  }
0x66: {  	s0 =	simm.s32 $0xC100  }
0x67: {  	[hbm4b:s3+s2] =	stream.indirect_vreg.scatter [tilespmem:s0], [sflag:$0x1], $0x80, v4, vm0, $0xb8;
	[tilespmem:$0x10100] =	vst v63  }
0x68: {  	v3 =	vperm.xlane v3, v2;
	s0 =	simm.s32 $0xC900  }
0x69: {  	[hbm4b:s4+s2] =	stream.indirect_vreg.scatter [tilespmem:s0], [sflag:$0x1], $0x80, v4, vm0, $0xb8;
	[tilespmem:$0x10100] =	vst v63  }
0x6a: {  	v3 =	vadd.s32 v1, v3;
	s0 =	simm.s32 $0xD100  }
0x6b: {  	[hbm4b:s5+s2] =	stream.indirect_vreg.scatter [tilespmem:s0], [sflag:$0x1], $0x80, v4, vm0, $0xb8;
	[tilespmem:$0x10100] =	vst v63  }
0x6c: {  	s0 =	simm.s32 $0xD900  }
0x6d: {  	[hbm4b:s6+s2] =	stream.indirect_vreg.scatter [tilespmem:s0], [sflag:$0x1], $0x80, v4, vm0, $0xb8;
	[tilespmem:$0x10100] =	vst v63  }
0x6e: {  	s0 =	simm.s32 $0xE100  }
0x6f: {  	[hbm4b:s3+s2] =	stream.indirect_vreg.scatter [tilespmem:s0], [sflag:$0x1], $0x80, v3, vm0, $0xb8;
	[tilespmem:$0x10100] =	vst v63  }
0x70: {  	s0 =	simm.s32 $0xE900  }
0x71: {  	[hbm4b:s4+s2] =	stream.indirect_vreg.scatter [tilespmem:s0], [sflag:$0x1], $0x80, v3, vm0, $0xb8;
	[tilespmem:$0x10100] =	vst v63  }
0x72: {  	s0 =	simm.s32 $0xF100  }
0x73: {  	[hbm4b:s5+s2] =	stream.indirect_vreg.scatter [tilespmem:s0], [sflag:$0x1], $0x80, v3, vm0, $0xb8;
	[tilespmem:$0x10100] =	vst v63  }
0x74: {  	s0 =	simm.s32 $0xF900  }
0x75: {  	[hbm4b:s6+s2] =	stream.indirect_vreg.scatter [tilespmem:s0], [sflag:$0x1], $0x80, v3, vm0, $0xb8;
	[tilespmem:$0x10100] =	vst v63  }
0x76: {  	v3 =	vld [tilespmem:$0x80];
	_ =	sdelay $0x4  }
0x77: {  	v60 =	vshll.u32 v3, $0x3  }
0x78: {  	v3 =	vand.u32 $0x7, v3;
	v4 =	vand.u32 $0xFFFFFFC0, v60  }
0x79: {  	v3 =	vor.u32 v3, v4  }
0x7a: {  	v4 =	vperm.xlane v3, v0;
	_ =	sdelay $0x1  }
0x7b: {  	v4 =	vadd.s32 v1, v4;
	_ =	sdelay $0x4  }
0x7c: {  	[hbm4b:s3+s2] =	stream.indirect_vreg.scatter [tilespmem:s9], [sflag:$0x1], $0x80, v4, vm0, $0xb8;
	[tilespmem:$0x10100] =	vst v63  }
0x7d: {  	v3 =	vperm.xlane v3, v2  }
0x7e: {  	[hbm4b:s4+s2] =	stream.indirect_vreg.scatter [tilespmem:s20], [sflag:$0x1], $0x80, v4, vm0, $0xb8;
	[tilespmem:$0x10100] =	vst v63  }
0x7f: {  	v3 =	vadd.s32 v1, v3  }
0x80: {  	[hbm4b:s5+s2] =	stream.indirect_vreg.scatter [tilespmem:s21], [sflag:$0x1], $0x80, v4, vm0, $0xb8;
	[tilespmem:$0x10100] =	vst v63  }
0x81: {  	_ = 	snop  }
0x82: {  	[hbm4b:s6+s2] =	stream.indirect_vreg.scatter [tilespmem:s22], [sflag:$0x1], $0x80, v4, vm0, $0xb8;
	[tilespmem:$0x10100] =	vst v63  }
0x83: {  	_ = 	snop  }
0x84: {  	[hbm4b:s3+s2] =	stream.indirect_vreg.scatter [tilespmem:s23], [sflag:$0x1], $0x80, v3, vm0, $0xb8;
	[tilespmem:$0x10100] =	vst v63  }
0x85: {  	_ = 	snop  }
0x86: {  	[hbm4b:s4+s2] =	stream.indirect_vreg.scatter [tilespmem:s24], [sflag:$0x1], $0x80, v3, vm0, $0xb8;
	[tilespmem:$0x10100] =	vst v63  }
0x87: {  	_ = 	snop  }
0x88: {  	[hbm4b:s5+s2] =	stream.indirect_vreg.scatter [tilespmem:s25], [sflag:$0x1], $0x80, v3, vm0, $0xb8;
	[tilespmem:$0x10100] =	vst v63  }
0x89: {  	_ = 	snop  }
0x8a: {  	[hbm4b:s6+s2] =	stream.indirect_vreg.scatter [tilespmem:s26], [sflag:$0x1], $0x80, v3, vm0, $0xb8;
	[tilespmem:$0x10100] =	vst v63  }
0x8b: {  	v3 =	vld [tilespmem:$0x90];
	_ =	sdelay $0x4  }
0x8c: {  	v61 =	vshll.u32 v3, $0x3  }
0x8d: {  	v3 =	vand.u32 $0x7, v3;
	v4 =	vand.u32 $0xFFFFFFC0, v61  }
0x8e: {  	v3 =	vor.u32 v3, v4  }
0x8f: {  	v4 =	vperm.xlane v3, v0;
	_ =	sdelay $0x1  }
0x90: {  	v4 =	vadd.s32 v1, v4;
	_ =	sdelay $0x4  }
0x91: {  	[hbm4b:s3+s2] =	stream.indirect_vreg.scatter [tilespmem:s28], [sflag:$0x1], $0x80, v4, vm0, $0xb8;
	[tilespmem:$0x10100] =	vst v63  }
0x92: {  	v3 =	vperm.xlane v3, v2  }
0x93: {  	[hbm4b:s4+s2] =	stream.indirect_vreg.scatter [tilespmem:s29], [sflag:$0x1], $0x80, v4, vm0, $0xb8;
	[tilespmem:$0x10100] =	vst v63  }
0x94: {  	v3 =	vadd.s32 v1, v3  }
0x95: {  	[hbm4b:s5+s2] =	stream.indirect_vreg.scatter [tilespmem:s30], [sflag:$0x1], $0x80, v4, vm0, $0xb8;
	[tilespmem:$0x10100] =	vst v63  }
0x96: {  	_ = 	snop  }
0x97: {  	[hbm4b:s6+s2] =	stream.indirect_vreg.scatter [tilespmem:s31], [sflag:$0x1], $0x80, v4, vm0, $0xb8;
	[tilespmem:$0x10100] =	vst v63  }
0x98: {  	_ = 	snop  }
0x99: {  	[hbm4b:s3+s2] =	stream.indirect_vreg.scatter [tilespmem:s1], [sflag:$0x1], $0x80, v3, vm0, $0xb8;
	[tilespmem:$0x10100] =	vst v63  }
0x9a: {  	s20 =	simm.s32 $0x6900  }
0x9b: {  	[hbm4b:s4+s2] =	stream.indirect_vreg.scatter [tilespmem:s20], [sflag:$0x1], $0x80, v3, vm0, $0xb8;
	[tilespmem:$0x10100] =	vst v63  }
0x9c: {  	_ = 	snop  }
0x9d: {  	[hbm4b:s5+s2] =	stream.indirect_vreg.scatter [tilespmem:s11], [sflag:$0x1], $0x80, v3, vm0, $0xb8;
	[tilespmem:$0x10100] =	vst v63  }
0x9e: {  	_ = 	snop  }
0x9f: {  	[hbm4b:s6+s2] =	stream.indirect_vreg.scatter [tilespmem:s12], [sflag:$0x1], $0x80, v3, vm0, $0xb8;
	[tilespmem:$0x10100] =	vst v63  }
0xa0: {  	v3 =	vld [tilespmem:$0xA0];
	_ =	sdelay $0x4  }
0xa1: {  	v62 =	vshll.u32 v3, $0x3  }
0xa2: {  	v3 =	vand.u32 $0x7, v3;
	v4 =	vand.u32 $0xFFFFFFC0, v62  }
0xa3: {  	v3 =	vor.u32 v3, v4  }
0xa4: {  	v4 =	vperm.xlane v3, v0;
	_ =	sdelay $0x1  }
0xa5: {  	v4 =	vadd.s32 v1, v4;
	_ =	sdelay $0x4  }
0xa6: {  	[hbm4b:s3+s2] =	stream.indirect_vreg.scatter [tilespmem:s13], [sflag:$0x1], $0x80, v4, vm0, $0xb8;
	[tilespmem:$0x10100] =	vst v63  }
0xa7: {  	v3 =	vperm.xlane v3, v2  }
0xa8: {  	[hbm4b:s4+s2] =	stream.indirect_vreg.scatter [tilespmem:s14], [sflag:$0x1], $0x80, v4, vm0, $0xb8;
	[tilespmem:$0x10100] =	vst v63  }
0xa9: {  	v3 =	vadd.s32 v1, v3  }
0xaa: {  	[hbm4b:s5+s2] =	stream.indirect_vreg.scatter [tilespmem:s15], [sflag:$0x1], $0x80, v4, vm0, $0xb8;
	[tilespmem:$0x10100] =	vst v63  }
0xab: {  	_ = 	snop  }
0xac: {  	[hbm4b:s6+s2] =	stream.indirect_vreg.scatter [tilespmem:s16], [sflag:$0x1], $0x80, v4, vm0, $0xb8;
	[tilespmem:$0x10100] =	vst v63  }
0xad: {  	_ = 	snop  }
0xae: {  	[hbm4b:s3+s2] =	stream.indirect_vreg.scatter [tilespmem:s17], [sflag:$0x1], $0x80, v3, vm0, $0xb8;
	[tilespmem:$0x10100] =	vst v63  }
0xaf: {  	_ = 	snop  }
0xb0: {  	[hbm4b:s4+s2] =	stream.indirect_vreg.scatter [tilespmem:s18], [sflag:$0x1], $0x80, v3, vm0, $0xb8;
	[tilespmem:$0x10100] =	vst v63  }
0xb1: {  	_ = 	snop  }
0xb2: {  	[hbm4b:s5+s2] =	stream.indirect_vreg.scatter [tilespmem:s19], [sflag:$0x1], $0x80, v3, vm0, $0xb8;
	[tilespmem:$0x10100] =	vst v63  }
0xb3: {  	_ = 	snop  }
0xb4: {  	[hbm4b:s6+s2] =	stream.indirect_vreg.scatter [tilespmem:s8], [sflag:$0x1], $0x80, v3, vm0, $0xb8;
	[tilespmem:$0x10100] =	vst v63  }
0xb5: {  	v3 =	vld [tilespmem:$0xB0];
	_ =	sdelay $0x4  }
0xb6: {  	v63 =	vshll.u32 v3, $0x3  }
0xb7: {  	v3 =	vand.u32 $0x7, v3;
	v4 =	vand.u32 $0xFFFFFFC0, v63  }
0xb8: {  	v3 =	vor.u32 v3, v4  }
0xb9: {  	v4 =	vperm.xlane v3, v0;
	_ =	sdelay $0x1  }
0xba: {  	v4 =	vadd.s32 v1, v4;
	_ =	sdelay $0x3  }
0xbb: {  	s21 =	simm.s32 $0xC100  }
0xbc: {  	[hbm4b:s3+s2] =	stream.indirect_vreg.scatter [tilespmem:s21], [sflag:$0x1], $0x80, v4, vm0, $0xb8;
	[tilespmem:$0x10100] =	vst v63  }
0xbd: {  	s20 =	simm.s32 $0xC900;
	v3 =	vperm.xlane v3, v2  }
0xbe: {  	[hbm4b:s4+s2] =	stream.indirect_vreg.scatter [tilespmem:s20], [sflag:$0x1], $0x80, v4, vm0, $0xb8;
	[tilespmem:$0x10100] =	vst v63  }
0xbf: {  	v3 =	vadd.s32 v1, v3;
	s21 =	simm.s32 $0xD100  }
0xc0: {  	[hbm4b:s5+s2] =	stream.indirect_vreg.scatter [tilespmem:s21], [sflag:$0x1], $0x80, v4, vm0, $0xb8;
	[tilespmem:$0x10100] =	vst v63  }
0xc1: {  	s20 =	simm.s32 $0xD900  }
0xc2: {  	[hbm4b:s6+s2] =	stream.indirect_vreg.scatter [tilespmem:s20], [sflag:$0x1], $0x80, v4, vm0, $0xb8;
	[tilespmem:$0x10100] =	vst v63  }
0xc3: {  	s21 =	simm.s32 $0xE100  }
0xc4: {  	[hbm4b:s3+s2] =	stream.indirect_vreg.scatter [tilespmem:s21], [sflag:$0x1], $0x80, v3, vm0, $0xb8;
	[tilespmem:$0x10100] =	vst v63  }
0xc5: {  	s20 =	simm.s32 $0xE900  }
0xc6: {  	[hbm4b:s4+s2] =	stream.indirect_vreg.scatter [tilespmem:s20], [sflag:$0x1], $0x80, v3, vm0, $0xb8;
	[tilespmem:$0x10100] =	vst v63  }
0xc7: {  	s21 =	simm.s32 $0xF100  }
0xc8: {  	[hbm4b:s5+s2] =	stream.indirect_vreg.scatter [tilespmem:s21], [sflag:$0x1], $0x80, v3, vm0, $0xb8;
	[tilespmem:$0x10100] =	vst v63  }
0xc9: {  	_ = 	snop  }
0xca: {  	[hbm4b:s6+s2] =	stream.indirect_vreg.scatter [tilespmem:s0], [sflag:$0x1], $0x80, v3, vm0, $0xb8;
	[tilespmem:$0x10100] =	vst v63  }
0xcb: {  	p0 =	sne.s32 s7, $0x1;
	_ =	swait.ge [sflag:s10], $0x10000  }
.Ltmp0:
0xcc: {  	[sflag:s10] =	ssyncset.done $0x0;
	(pc) =	sbr.rel @p0 .LBB2_1-.Ltmp0, $4  }
0xcd: {  	[sflag:s10] =	ssyncadd.s32 $0xFFFF0000  }
0xce: {  	_ =	swait.ge [sflag:s10], $0x10000  }
0xcf: {  	[sflag:s10] =	ssyncset.done $0x0  }
0xd0: {  	s7 =	sadd.s32 $0xFFFFFFFF, s7;
	[sflag:s10] =	ssyncadd.s32 $0xFFFF0000  }
0xd1: {  	_ =	sfence.sel $0x180000  }
0xd2: {  	[bflag:$0x0] =	sbarrier.arrive $0xFFFF  }
0xd3: {  	_ =	strace $0x90000047  }
0xd4: {  	s0 =	stileid.u32;
	[bflag:$0x2] =	sbarrier.arrive $0xFFFF  }
0xd5: {  	p0 =	sne.s32 s0, $0x0;
	s0 =	rddreg [dreg:$0x1]  }
0xd6: {  	s0 =	sadd.s32 @!p0 $0x100000, s0  }
0xd7: {  	[sflag:s0] =	ssyncadd.tile.s32 @!p0 $0x1;
	_ =	shalt  }
.Lfunc_end2:
_tile_overlayer_lowered:
.L_overlay_start_2:
0xd8: {  	(tag) =	ssettag $0x2  }
0xd9: {  	s0 =	rddreg [dreg:$0x0];
	s2 =	stileid.u32  }
0xda: {  	s1 =	rddreg [dreg:$0x1];
	p0 =	sne.s32 s2, $0x0  }
0xdb: {  	s3 =	rddreg [dreg:$0x2];
	[bflag:$0x3] =	sbarrier.arrive $0xFFFF;
	s2 =	simm.s32 @!p0 $0x1C02  }
0xdc: {  	[timem:s3], [sflag:s2] =	dma.local @!p0 [hbm:s0], s1  }
0xdd: {  	s0 =	simm.s32 @!p0 $0x2  }
0xde: {  	_ =	swait.ge @!p0 [sflag:s0], s1  }
0xdf: {  	s1 =	ssub.s32 @!p0 $0x0, s1;
	[sflag:s0] =	ssyncset.done @!p0 $0x0  }
0xe0: {  	[sflag:s0] =	ssyncadd.s32 @!p0 s1  }
0xe1: {  	[bflag:$0x3] =	sbarrier.arrive $0xFFFF  }
0xe2: {  	_ =	shalt  }

// kernel: kernel.13.cloned.1.call-start
scs
__scs_entry_jumppad:
0x0: {  	(pc) =	sbr.rel $0x88, $3  }
0x1: {  	(tag) =	ssettag $0x0;
	lr =	simm.s32 $0x1  }
0x2: {  	[smem:$0x3F94] =	sst lr;
	_ =	strace $0xD0000000  }
0x3: {  	_ = 	snop  }
0x4: {  	_ = 	snop  }
0x5: {  	_ = 	snop  }
0x6: {  	_ = 	snop  }
0x7: {  	_ = 	snop  }
__scs_overlays_trampoline_lowered:
0x8: {  	[smem:$0x3FA3] =	sst s0  }
0x9: {  	[smem:$0x3FA4] =	sst s1  }
0xa: {  	[smem:$0x3FA5] =	sst s2  }
0xb: {  	[smem:$0x3FA6] =	sst s3  }
0xc: {  	[smem:$0x3FA7] =	sst s4  }
0xd: {  	[smem:$0x3FA8] =	sst s5  }
0xe: {  	[smem:$0x3FA9] =	sst s6  }
0xf: {  	[smem:$0x3FAA] =	sst s7  }
0x10: {  	[smem:$0x3FAB] =	sst s8  }
0x11: {  	[smem:$0x3FAC] =	sst s9;
	s0 =	simm.s32 @!p0 $0x0  }
0x12: {  	s1 =	sld [smem:$0x3F92];
	s0 =	simm.s32 @p0 $0x1  }
0x13: {  	[smem:$0x3FAD] =	sst s0;
	s0 =	simm.s32 @!p1 $0x0  }
0x14: {  	s2 =	sld [smem:$0x3F91];
	s0 =	simm.s32 @p1 $0x1  }
0x15: {  	[smem:$0x3FAE] =	sst s0;
	s0 =	simm.s32 @!p2 $0x0  }
0x16: {  	s3 =	sld [smem:$0x3FDB];
	s0 =	simm.s32 @p2 $0x1  }
0x17: {  	s4 =	simm.s32 $0x1BF5;
	[smem:$0x3FB0] =	sst s0  }
0x18: {  	s0 =	sld [smem:$0x3F93];
	_ =	swait.ge [sflag:s4], $0x0  }
0x19: {  	s7 =	sld [smem:$0x3F94]  }
0x1a: {  	s8 =	sadd.s32 $0xFFFFE003, lr  }
0x1b: {  	s9 =	sadd.s32 $0xFFFFFEF7, lr;
	s5 =	simm.s32 $0xFFFFFFFF;
	p2 =	slt.u32 s8, $0xFFFFF086  }
0x1c: {  	p1 =	slt.u32 s9, $0xF7A;
	s5 =	simm.s32 @!p2 $0x0  }
0x1d: {  	s5 =	simm.s32 @p1 $0x1;
	p0 =	seq.s32 s7, s2  }
0x1e: {  	s7 =	smul.u32 @!p0 $0xF7A, s2;
	p2 =	seq.s32 @!p0 s5, $0x0  }
0x1f: {  	s9 =	smul.u32 $0xF7A, s1;
	s8 =	simm.s32 @!p0 $0x1BF5;
	p2 =	por !p2, p0  }
0x20: {  	[sflag:s8] =	ssyncset.s32 @!p0 $0xFFFFF086;
	s6 =	sadd.s32 @!p0 s3, s7;
	s7 =	simm.s32 @!p0 $0x108  }
0x21: {  	s3 =	sadd.s32 s3, s9;
	s6 =	sadd.s32 @!p0 $0x88, s6;
	s7 =	simm.s32 @p2 $0x1082  }
0x22: {  	[simem:s7], [sflag:s8] =	dma.local @!p0 [hbm:s6], $0xF7A  }
0x23: {  	s9 =	sor.u32 $0xD0000000, s2;
	s6 =	simm.s32 $0x108;
	_ =	swait.ge @!p0 [sflag:s8], $0x0  }
0x24: {  	s3 =	sadd.s32 $0x88, s3;
	s6 =	simm.s32 @!p1 $0x1082;
	[sflag:s4] =	ssyncset.s32 $0xFFFFF086  }
0x25: {  	[simem:s6], [sflag:s4] =	dma.local [hbm:s3], $0xF7A  }
0x26: {  	[smem:$0x3F94] =	sst s1;
	(tag) =	ssettag s2;
	_ =	strace s9  }
0x27: {  	s1 =	sld [smem:$0x3FA4]  }
0x28: {  	s2 =	sld [smem:$0x3FA5]  }
0x29: {  	s4 =	sld [smem:$0x3FA7]  }
0x2a: {  	p0 =	seq.s32 s5, $0x0;
	s5 =	sld [smem:$0x3FA8]  }
0x2b: {  	s6 =	sld [smem:$0x3FA9]  }
0x2c: {  	s7 =	sld [smem:$0x3FAA]  }
0x2d: {  	s3 =	simm.s32 $0x108;
	s8 =	sld [smem:$0x3FAB]  }
0x2e: {  	s3 =	simm.s32 @!p0 $0x1082;
	s9 =	sld [smem:$0x3FAC]  }
0x2f: {  	lr =	sadd.s32 s0, s3;
	s0 =	sld [smem:$0x3FA3]  }
0x30: {  	s3 =	sld [smem:$0x3FA6]  }
0x31: {  	[smem:$0x3FAF] =	sst s10  }
0x32: {  	s10 =	sld [smem:$0x3FAD];
	_ =	sdelay $0x3  }
0x33: {  	p0 =	seq.s32 s10, $0x1;
	s10 =	sld [smem:$0x3FAF];
	_ =	sdelay $0x3  }
0x34: {  	[smem:$0x3FAF] =	sst s10  }
0x35: {  	s10 =	sld [smem:$0x3FAE];
	_ =	sdelay $0x3  }
0x36: {  	p1 =	seq.s32 s10, $0x1;
	s10 =	sld [smem:$0x3FAF];
	_ =	sdelay $0x3  }
0x37: {  	[smem:$0x3FAF] =	sst s10  }
0x38: {  	s10 =	sld [smem:$0x3FB0]  }
0x39: {  	_ = 	snop;
	(pc) =	sbr.ind lr, $3  }
0x3a: {  	_ = 	snop  }
0x3b: {  	_ = 	snop  }
0x3c: {  	p2 =	seq.s32 s10, $0x1;
	s10 =	sld [smem:$0x3FAF]  }
0x3d: {  	_ =	shalt  }
0x3e: {  	_ =	shalt  }
0x3f: {  	_ =	shalt  }
0x40: {  	_ =	shalt  }
0x41: {  	_ =	shalt  }
0x42: {  	_ =	shalt  }
0x43: {  	_ =	shalt  }
0x44: {  	_ =	shalt  }
0x45: {  	_ =	shalt  }
0x46: {  	_ =	shalt  }
0x47: {  	_ =	shalt  }
0x48: {  	_ =	shalt  }
0x49: {  	_ =	shalt  }
0x4a: {  	_ =	shalt  }
0x4b: {  	_ =	shalt  }
0x4c: {  	_ =	shalt  }
0x4d: {  	_ =	shalt  }
0x4e: {  	_ =	shalt  }
0x4f: {  	_ =	shalt  }
0x50: {  	_ =	shalt  }
0x51: {  	_ =	shalt  }
0x52: {  	_ =	shalt  }
0x53: {  	_ =	shalt  }
0x54: {  	_ =	shalt  }
0x55: {  	_ =	shalt  }
0x56: {  	_ =	shalt  }
0x57: {  	_ =	shalt  }
0x58: {  	_ =	shalt  }
0x59: {  	_ =	shalt  }
0x5a: {  	_ =	shalt  }
0x5b: {  	_ =	shalt  }
0x5c: {  	_ =	shalt  }
0x5d: {  	_ =	shalt  }
0x5e: {  	_ =	shalt  }
0x5f: {  	_ =	shalt  }
0x60: {  	_ =	shalt  }
0x61: {  	_ =	shalt  }
0x62: {  	_ =	shalt  }
0x63: {  	_ =	shalt  }
0x64: {  	_ =	shalt  }
0x65: {  	_ =	shalt  }
0x66: {  	_ =	shalt  }
0x67: {  	_ =	shalt  }
0x68: {  	_ =	shalt  }
0x69: {  	_ =	shalt  }
0x6a: {  	_ =	shalt  }
0x6b: {  	_ =	shalt  }
0x6c: {  	_ =	shalt  }
0x6d: {  	_ =	shalt  }
0x6e: {  	_ =	shalt  }
0x6f: {  	_ =	shalt  }
0x70: {  	_ =	shalt  }
0x71: {  	_ =	shalt  }
0x72: {  	_ =	shalt  }
0x73: {  	_ =	shalt  }
0x74: {  	_ =	shalt  }
0x75: {  	_ =	shalt  }
0x76: {  	_ =	shalt  }
0x77: {  	_ =	shalt  }
0x78: {  	_ =	shalt  }
0x79: {  	_ =	shalt  }
0x7a: {  	_ =	shalt  }
0x7b: {  	_ =	shalt  }
0x7c: {  	_ =	shalt  }
0x7d: {  	_ =	shalt  }
0x7e: {  	_ =	shalt  }
0x7f: {  	_ =	shalt  }
0x80: {  	_ =	shalt  }
0x81: {  	_ =	shalt  }
0x82: {  	_ =	shalt  }
0x83: {  	_ =	shalt  }
0x84: {  	_ =	shalt  }
0x85: {  	_ =	shalt  }
0x86: {  	_ =	shalt  }
0x87: {  	_ =	shalt  }
.Lfunc_end0:
.L_simem_size_0:
called_computation.1_lowered:
.L_overlay_start_0:
0x88: {  	s2 =	sld [smem:$0x3FD9]  }
0x89: {  	s3 =	sld [smem:$0x3FFE];
	_ =	sdelay $0x1  }
0x8a: {  	s1 =	srdreg.scid  }
0x8b: {  	s0 =	sand.u32 $0x1, s1  }
0x8c: {  	s14 =	sshll.u32 s0, $0xA;
	s2 =	sadd.s32 s3, s2  }
0x8d: {  	s2 =	sadd.s32 s2, s14  }
0x8e: {  	[smem:$0x3FBB] =	sst s2  }
0x8f: {  	_ = 	snop  }
0x90: {  	s2 =	sld [smem:$0x3FD0];
	_ =	sdelay $0x2  }
0x91: {  	s15 =	simm.s32 $0xA;
	s4 =	simm.s32 $0x10  }
0x92: {  	[smem:s4], [sflag:s15] =	dma.local [hbm:s2], $0x1  }
0x93: {  	_ =	swait.eq [sflag:s15], $0x1  }
0x94: {  	[sflag:s15] =	ssyncset.done $0x0  }
0x95: {  	[sflag:s15] =	ssyncadd.s32 $0xFFFFFFFF  }
0x96: {  	s16 =	sld [smem:$0x10];
	(tm) =	ssettm $0x1  }
0x97: {  	s17 =	sld [smem:$0x3FFB];
	_ =	sdelay $0x3  }
0x98: {  	_ =	strace s17  }
0x99: {  	s3 =	sld [smem:$0x3FFC];
	_ =	sdelay $0x3  }
0x9a: {  	_ =	strace s3  }
0x9b: {  	s3 =	sld [smem:$0x3FFD];
	_ =	sdelay $0x3  }
0x9c: {  	_ =	strace s3  }
0x9d: {  	_ =	strace $0x8FFFFFFF  }
0x9e: {  	s18 =	sld [smem:$0x3FDB];
	_ =	sdelay $0x1  }
0x9f: {  	s19 =	simm.s32 $_scs_section_size  }
0xa0: {  	s5 =	simm.s32 $_size__tile_overlayer_lowered;
	s6 =	simm.s32 $_tile_overlayer_lowered  }
0xa1: {  	s22 =	simm.s32 $0x1BFF;
	s21 =	sshll.u32 s6, $0x1;
	s3 =	sadd.s32 s19, s18  }
0xa2: {  	s7 =	simm.s32 $0x0;
	s20 =	sshll.u32 s5, $0x1;
	s5 =	sadd.s32 s21, s3  }
0xa3: {  	[timem:s7], [sflag:s22] =	dma.local [hbm:s5], s20  }
0xa4: {  	_ =	swait.ge [sflag:s22], s20  }
0xa5: {  	s4 =	ssub.s32 $0x0, s20;
	[sflag:s22] =	ssyncset.done $0x0  }
0xa6: {  	[sflag:s22] =	ssyncadd.s32 s4;
	_ =	sdelay $0x1  }
0xa7: {  	s23 =	simm.s32 $0x1B8B  }
0xa8: {  	_ =	swait.ge [sflag:s23], $0x1  }
0xa9: {  	[sflag:s23] =	ssyncset.done $0x0  }
0xaa: {  	s25 =	simm.s32 $0x1B8E;
	s24 =	sld [smem:$0x3FFE];
	[sflag:s23] =	ssyncadd.s32 $0xFFFFFFFF  }
0xab: {  	s26 =	simm.s32 $execute0_lowered;
	[smem:$0x3FD2] =	sst s25  }
0xac: {  	s5 =	sshll.u32 s26, $0x1;
	_ =	strace $0x80000049;
	[dreg:$0x1] =	wrdreg $0xFFFFFFFF  }
0xad: {  	s28 =	simm.s32 $_size_execute0_lowered;
	s3 =	sadd.s32 s3, s5;
	[dreg:$0x0] =	wrdreg $0x0  }
0xae: {  	s5 =	sshll.u32 s28, $0x1;
	[dreg:$0x2] =	wrdreg s3  }
0xaf: {  	[dreg:$0x3] =	wrdreg s5  }
0xb0: {  	[dreg:$0x4] =	wrdreg $0xC0  }
0xb1: {  	_ =	task [dreg:s7], $0x5FFFF  }
0xb2: {  	[dreg:$0x1] =	wrdreg $0xFFFFFFFF  }
0xb3: {  	[dreg:$0x0] =	wrdreg $0x60  }
0xb4: {  	[dreg:$0x2] =	wrdreg s24  }
0xb5: {  	[dreg:$0x3] =	wrdreg s16  }
0xb6: {  	[dreg:$0x4] =	wrdreg $0x9  }
0xb7: {  	_ =	task.clear_ibuf [dreg:s7], $0x5FFFF;
	_ =	strace $0x90000049  }
0xb8: {  	s29 =	simm.s32 $0x9;
	_ =	strace $0x8000004B  }
0xb9: {  	_ =	swait.ge [sflag:s29], $0x1  }
0xba: {  	[sflag:s29] =	ssyncadd.s32 $0xFFFFFFFF  }
0xbb: {  	_ =	strace $0x9000004B  }
0xbc: {  	_ =	sfence  }
0xbd: {  	s30 =	sld [smem:$0x0];
	_ =	sdelay $0x2  }
0xbe: {  	s31 =	sshll.u32 s1, $0xD;
	s1 =	sshrl.u32 s1, $0x2  }
0xbf: {  	s3 =	sand.u32 $0x4000, s31;
	s1 =	sadd.s32 s1, s30  }
0xc0: {  	s0 =	sor.u32 s3, s0;
	s1 =	sshll.u32 s1, $0x11  }
0xc1: {  	s0 =	sor.u32 s1, s0  }
0xc2: {  	s0 =	sadd.s32 $0x8F2B, s0  }
0xc3: {  	[sflag:s0] =	ssyncadd.remote.s32 $0x1  }
0xc4: {  	_ =	sfence.sel $0xFFFF  }
0xc5: {  	[dreg:$0x0] =	wrdreg $0xFFFFFFFF;
	(pc) =	sbr.abs _section_cstart, $3  }
0xc6: {  	[dreg:$0x1] =	wrdreg $0xFFFFFFFF  }
0xc7: {  	_ =	task.clear_ibuf [dreg:s7], $0x2FFFF;
	_ =	strace $0x9FFFFFFF  }
0xc8: {  	(tm) =	ssettm $0x7FFFFFFF  }
0xc9: {  	_ =	shalt  }
tec
execute0_lowered:
.L_overlay_start_1:
0x0: {  	(tag) =	ssettag $0x1  }
0x1: {  	s0 =	rddreg [dreg:$0x0]  }
0x2: {  	s1 =	rddreg [dreg:$0x1]  }
0x3: {  	s2 =	srdreg.scid;
	s3 =	stileid.u32;
	s26 =	simm.s32 $0x80  }
0x4: {  	s18 =	simm.s32 $0x1;
	s21 =	simm.s32 $0x1100;
	s28 =	simm.s32 $0x3900  }
0x5: {  	s29 =	simm.s32 $0x4100;
	s30 =	simm.s32 $0x4900;
	s31 =	simm.s32 $0x5100  }
0x6: {  	s10 =	simm.s32 $0x6900;
	s11 =	simm.s32 $0x7100;
	s12 =	simm.s32 $0x7900  }
0x7: {  	s13 =	simm.s32 $0x8900;
	s14 =	simm.s32 $0x9100;
	s15 =	simm.s32 $0x9900  }
0x8: {  	s16 =	simm.s32 $0xA100;
	s17 =	simm.s32 $0xA900;
	s4 =	sand.u32 $0x1, s2  }
0x9: {  	s2 =	simm.s32 $0x0;
	s3 =	sshll.u32 s3, $0x7;
	s7 =	sadd.s32 $0x1A00, s0  }
0xa: {  	s5 =	sshll.u32 s4, $0x6;
	[smem:$0x7FF] =	sst s2;
	s4 =	ssub.s32 $0x2, s4  }
0xb: {  	s5 =	sor.u32 s5, s3;
	_ =	strace $0x8000004A;
	s8 =	sshrl.u32 s4, $0x1  }
0xc: {  	[dreg:$0x9] =	wrdreg s26;
	s26 =	simm.s32 $0x3100;
	s3 =	sshrl.u32 s5, $0x3  }
0xd: {  	s5 =	sshll.u32 s5, $0x7;
	s8 =	ssub.s32 s4, s8;
	s4 =	sadd.s32 $0x101F00, s0  }
0xe: {  	s6 =	sadd.s32 s3, s0;
	s3 =	sadd.s32 $0x101E00, s0;
	s22 =	sadd.s32 s1, s5  }
0xf: {  	s23 =	sadd.s32 s7, s5;
	s24 =	sor.u32 $0x1000, s5;
	s5 =	sadd.s32 $0x102000, s0  }
0x10: {  	s9 =	sadd.s32 $0x41A00, s6;
	s6 =	sadd.s32 $0x41C00, s6;
	[dreg:$0x5] =	wrdreg s22  }
0x11: {  	[dreg:$0x6] =	wrdreg s23;
	s1 =	sadd.s32 s1, s24;
	s25 =	sadd.s32 s7, s24  }
0x12: {  	s7 =	smax.u32 s8, $0x1;
	s8 =	simm.s32 $0x2;
	[dreg:$0x3] =	wrdreg s9  }
0x13: {  	v2 =	vlaneseq.u32;
	s22 =	simm.s32 $0x1900;
	s23 =	simm.s32 $0x2100;
	[dreg:$0x4] =	wrdreg s6  }
0x14: {  	vm0 =	vmmov $0xffff;
	v1 =	vshrl.u32 v2, $0x3;
	s24 =	simm.s32 $0x2900;
	[dreg:$0x7] =	wrdreg s1;
	s6 =	sadd.s32 $0x102100, s0  }
0x15: {  	v0 =	vand.u32 $0x7, v2;
	v2 =	vor.u32 $0x8, v2;
	v1 =	vmul.u32 $0x8, v1;
	[dreg:$0x8] =	wrdreg s25;
	s25 =	simm.s32 $0x100;
	s9 =	simm.s32 $0xB100  }
.LBB2_1:
0x16: {  	s19 =	rddreg [dreg:$0x3]  }
0x17: {  	[tilespmem:s2], [sflag:$0x2] =	stream.linear.gather [hbm4b:s19+s2], $0x40, $0x38;
	[tilespmem:$0x10100] =	vst v63  }
0x18: {  	_ =	swait.ge [sflag:s8], $0x40  }
0x19: {  	s1 =	rddreg [dreg:$0x4];
	[sflag:s8] =	ssyncset.done $0x0  }
0x1a: {  	s20 =	rddreg [dreg:$0x9];
	[sflag:s8] =	ssyncadd.s32 $0xFFFFFFC0  }
0x1b: {  	[tilespmem:s20], [sflag:$0x2] =	stream.linear.gather [hbm4b:s1+s2], $0x40, $0x38;
	[tilespmem:$0x10100] =	vst v63  }
0x1c: {  	_ =	swait.ge [sflag:s8], $0x40  }
0x1d: {  	[sflag:s8] =	ssyncset.done $0x0  }
0x1e: {  	[sflag:s8] =	ssyncadd.s32 $0xFFFFFFC0  }
0x1f: {  	v3 =	vld [tilespmem:$0x0];
	_ =	sdelay $0x4  }
0x20: {  	v4 =	vshll.u32 v3, $0x3  }
0x21: {  	v3 =	vand.u32 $0x7, v3;
	v4 =	vand.u32 $0xFFFFFFC0, v4  }
0x22: {  	v3 =	vor.u32 v3, v4  }
0x23: {  	v4 =	vperm.xlane v3, v0;
	_ =	sdelay $0x1  }
0x24: {  	v4 =	vadd.s32 v1, v4;
	_ =	sdelay $0x4  }
0x25: {  	[tilespmem:s25], [sflag:$0x1] =	stream.indirect_vreg.gather [hbm4b:s3+s2], $0x80, v4, vm0, $0xb8;
	[tilespmem:$0x10100] =	vst v63  }
0x26: {  	s20 =	simm.s32 $0x900;
	v3 =	vperm.xlane v3, v2  }
0x27: {  	[tilespmem:s20], [sflag:$0x1] =	stream.indirect_vreg.gather [hbm4b:s4+s2], $0x80, v4, vm0, $0xb8;
	[tilespmem:$0x10100] =	vst v63  }
0x28: {  	v3 =	vadd.s32 v1, v3  }
0x29: {  	[tilespmem:s21], [sflag:$0x1] =	stream.indirect_vreg.gather [hbm4b:s5+s2], $0x80, v4, vm0, $0xb8;
	[tilespmem:$0x10100] =	vst v63  }
0x2a: {  	_ = 	snop  }
0x2b: {  	[tilespmem:s22], [sflag:$0x1] =	stream.indirect_vreg.gather [hbm4b:s6+s2], $0x80, v4, vm0, $0xb8;
	[tilespmem:$0x10100] =	vst v63  }
0x2c: {  	_ = 	snop  }
0x2d: {  	[tilespmem:s23], [sflag:$0x1] =	stream.indirect_vreg.gather [hbm4b:s3+s2], $0x80, v3, vm0, $0xb8;
	[tilespmem:$0x10100] =	vst v63  }
0x2e: {  	_ = 	snop  }
0x2f: {  	[tilespmem:s24], [sflag:$0x1] =	stream.indirect_vreg.gather [hbm4b:s4+s2], $0x80, v3, vm0, $0xb8;
	[tilespmem:$0x10100] =	vst v63  }
0x30: {  	_ = 	snop  }
0x31: {  	[tilespmem:s26], [sflag:$0x1] =	stream.indirect_vreg.gather [hbm4b:s5+s2], $0x80, v3, vm0, $0xb8;
	[tilespmem:$0x10100] =	vst v63  }
0x32: {  	_ = 	snop  }
0x33: {  	[tilespmem:s28], [sflag:$0x1] =	stream.indirect_vreg.gather [hbm4b:s6+s2], $0x80, v3, vm0, $0xb8;
	[tilespmem:$0x10100] =	vst v63  }
0x34: {  	v3 =	vld [tilespmem:$0x10];
	_ =	sdelay $0x4  }
0x35: {  	v57 =	vshll.u32 v3, $0x3  }
0x36: {  	v3 =	vand.u32 $0x7, v3;
	v4 =	vand.u32 $0xFFFFFFC0, v57  }
0x37: {  	v3 =	vor.u32 v3, v4  }
0x38: {  	v4 =	vperm.xlane v3, v0;
	_ =	sdelay $0x1  }
0x39: {  	v4 =	vadd.s32 v1, v4;
	_ =	sdelay $0x4  }
0x3a: {  	[tilespmem:s29], [sflag:$0x1] =	stream.indirect_vreg.gather [hbm4b:s3+s2], $0x80, v4, vm0, $0xb8;
	[tilespmem:$0x10100] =	vst v63  }
0x3b: {  	v3 =	vperm.xlane v3, v2  }
0x3c: {  	[tilespmem:s30], [sflag:$0x1] =	stream.indirect_vreg.gather [hbm4b:s4+s2], $0x80, v4, vm0, $0xb8;
	[tilespmem:$0x10100] =	vst v63  }
0x3d: {  	v3 =	vadd.s32 v1, v3  }
0x3e: {  	[tilespmem:s31], [sflag:$0x1] =	stream.indirect_vreg.gather [hbm4b:s5+s2], $0x80, v4, vm0, $0xb8;
	[tilespmem:$0x10100] =	vst v63  }
0x3f: {  	s0 =	simm.s32 $0x5900  }
0x40: {  	[tilespmem:s0], [sflag:$0x1] =	stream.indirect_vreg.gather [hbm4b:s6+s2], $0x80, v4, vm0, $0xb8;
	[tilespmem:$0x10100] =	vst v63  }
0x41: {  	s1 =	simm.s32 $0x6100  }
0x42: {  	[tilespmem:s1], [sflag:$0x1] =	stream.indirect_vreg.gather [hbm4b:s3+s2], $0x80, v3, vm0, $0xb8;
	[tilespmem:$0x10100] =	vst v63  }
0x43: {  	_ = 	snop  }
0x44: {  	[tilespmem:s10], [sflag:$0x1] =	stream.indirect_vreg.gather [hbm4b:s4+s2], $0x80, v3, vm0, $0xb8;
	[tilespmem:$0x10100] =	vst v63  }
0x45: {  	_ = 	snop  }
0x46: {  	[tilespmem:s11], [sflag:$0x1] =	stream.indirect_vreg.gather [hbm4b:s5+s2], $0x80, v3, vm0, $0xb8;
	[tilespmem:$0x10100] =	vst v63  }
0x47: {  	_ = 	snop  }
0x48: {  	[tilespmem:s12], [sflag:$0x1] =	stream.indirect_vreg.gather [hbm4b:s6+s2], $0x80, v3, vm0, $0xb8;
	[tilespmem:$0x10100] =	vst v63  }
0x49: {  	v3 =	vld [tilespmem:$0x80];
	_ =	sdelay $0x4  }
0x4a: {  	v58 =	vshll.u32 v3, $0x3  }
0x4b: {  	v3 =	vand.u32 $0x7, v3;
	v4 =	vand.u32 $0xFFFFFFC0, v58  }
0x4c: {  	v3 =	vor.u32 v3, v4  }
0x4d: {  	v4 =	vperm.xlane v3, v0;
	_ =	sdelay $0x1  }
0x4e: {  	v4 =	vadd.s32 v1, v4;
	_ =	sdelay $0x3  }
0x4f: {  	s0 =	simm.s32 $0x8100  }
0x50: {  	[tilespmem:s0], [sflag:$0x1] =	stream.indirect_vreg.gather [hbm4b:s3+s2], $0x80, v4, vm0, $0xb8;
	[tilespmem:$0x10100] =	vst v63  }
0x51: {  	v3 =	vperm.xlane v3, v2  }
0x52: {  	[tilespmem:s13], [sflag:$0x1] =	stream.indirect_vreg.gather [hbm4b:s4+s2], $0x80, v4, vm0, $0xb8;
	[tilespmem:$0x10100] =	vst v63  }
0x53: {  	v3 =	vadd.s32 v1, v3  }
0x54: {  	[tilespmem:s14], [sflag:$0x1] =	stream.indirect_vreg.gather [hbm4b:s5+s2], $0x80, v4, vm0, $0xb8;
	[tilespmem:$0x10100] =	vst v63  }
0x55: {  	_ = 	snop  }
0x56: {  	[tilespmem:s15], [sflag:$0x1] =	stream.indirect_vreg.gather [hbm4b:s6+s2], $0x80, v4, vm0, $0xb8;
	[tilespmem:$0x10100] =	vst v63  }
0x57: {  	_ = 	snop  }
0x58: {  	[tilespmem:s16], [sflag:$0x1] =	stream.indirect_vreg.gather [hbm4b:s3+s2], $0x80, v3, vm0, $0xb8;
	[tilespmem:$0x10100] =	vst v63  }
0x59: {  	_ = 	snop  }
0x5a: {  	[tilespmem:s17], [sflag:$0x1] =	stream.indirect_vreg.gather [hbm4b:s4+s2], $0x80, v3, vm0, $0xb8;
	[tilespmem:$0x10100] =	vst v63  }
0x5b: {  	_ = 	snop  }
0x5c: {  	[tilespmem:s9], [sflag:$0x1] =	stream.indirect_vreg.gather [hbm4b:s5+s2], $0x80, v3, vm0, $0xb8;
	[tilespmem:$0x10100] =	vst v63  }
0x5d: {  	s19 =	simm.s32 $0xB900  }
0x5e: {  	[tilespmem:s19], [sflag:$0x1] =	stream.indirect_vreg.gather [hbm4b:s6+s2], $0x80, v3, vm0, $0xb8;
	[tilespmem:$0x10100] =	vst v63  }
0x5f: {  	v3 =	vld [tilespmem:$0x90];
	_ =	sdelay $0x4  }
0x60: {  	v59 =	vshll.u32 v3, $0x3  }
0x61: {  	v3 =	vand.u32 $0x7, v3;
	v4 =	vand.u32 $0xFFFFFFC0, v59  }
0x62: {  	v3 =	vor.u32 v3, v4  }
0x63: {  	v4 =	vperm.xlane v3, v0;
	_ =	sdelay $0x1  }
0x64: {  	v4 =	vadd.s32 v1, v4;
	_ =	sdelay $0x3  }
0x65: {  	s19 =	simm.s32 $0xC100  }
0x66: {  	[tilespmem:s19], [sflag:$0x1] =	stream.indirect_vreg.gather [hbm4b:s3+s2], $0x80, v4, vm0, $0xb8;
	[tilespmem:$0x10100] =	vst v63  }
0x67: {  	v3 =	vperm.xlane v3, v2;
	s19 =	simm.s32 $0xC900  }
0x68: {  	[tilespmem:s19], [sflag:$0x1] =	stream.indirect_vreg.gather [hbm4b:s4+s2], $0x80, v4, vm0, $0xb8;
	[tilespmem:$0x10100] =	vst v63  }
0x69: {  	v3 =	vadd.s32 v1, v3;
	s19 =	simm.s32 $0xD100  }
0x6a: {  	[tilespmem:s19], [sflag:$0x1] =	stream.indirect_vreg.gather [hbm4b:s5+s2], $0x80, v4, vm0, $0xb8;
	[tilespmem:$0x10100] =	vst v63  }
0x6b: {  	s19 =	simm.s32 $0xD900  }
0x6c: {  	[tilespmem:s19], [sflag:$0x1] =	stream.indirect_vreg.gather [hbm4b:s6+s2], $0x80, v4, vm0, $0xb8;
	[tilespmem:$0x10100] =	vst v63  }
0x6d: {  	s19 =	simm.s32 $0xE100  }
0x6e: {  	[tilespmem:s19], [sflag:$0x1] =	stream.indirect_vreg.gather [hbm4b:s3+s2], $0x80, v3, vm0, $0xb8;
	[tilespmem:$0x10100] =	vst v63  }
0x6f: {  	s19 =	simm.s32 $0xE900  }
0x70: {  	[tilespmem:s19], [sflag:$0x1] =	stream.indirect_vreg.gather [hbm4b:s4+s2], $0x80, v3, vm0, $0xb8;
	[tilespmem:$0x10100] =	vst v63  }
0x71: {  	s19 =	simm.s32 $0xF100  }
0x72: {  	[tilespmem:s19], [sflag:$0x1] =	stream.indirect_vreg.gather [hbm4b:s5+s2], $0x80, v3, vm0, $0xb8;
	[tilespmem:$0x10100] =	vst v63  }
0x73: {  	s19 =	simm.s32 $0xF900  }
0x74: {  	[tilespmem:s19], [sflag:$0x1] =	stream.indirect_vreg.gather [hbm4b:s6+s2], $0x80, v3, vm0, $0xb8;
	[tilespmem:$0x10100] =	vst v63  }
0x75: {  	_ =	swait.ge [sflag:s18], $0x8000  }
0x76: {  	[sflag:s18] =	ssyncset.done $0x0  }
0x77: {  	s19 =	rddreg [dreg:$0x5];
	[sflag:s18] =	ssyncadd.s32 $0xFFFF8000  }
0x78: {  	[hbm4b:s19+s2] =	stream.linear.scatter [tilespmem:s25], [sflag:$0x2], $0x8000, $0x38;
	[tilespmem:$0x10100] =	vst v63  }
0x79: {  	_ =	swait.ge [sflag:s8], $0x8000  }
0x7a: {  	[sflag:s8] =	ssyncset.done $0x0  }
0x7b: {  	[sflag:s8] =	ssyncadd.s32 $0xFFFF8000  }
0x7c: {  	_ =	swait.ge [sflag:s18], $0x8000  }
0x7d: {  	[sflag:s18] =	ssyncset.done $0x0  }
0x7e: {  	s19 =	rddreg [dreg:$0x6];
	[sflag:s18] =	ssyncadd.s32 $0xFFFF8000  }
0x7f: {  	[hbm4b:s19+s2] =	stream.linear.scatter [tilespmem:s0], [sflag:$0x2], $0x8000, $0x38;
	[tilespmem:$0x10100] =	vst v63  }
0x80: {  	_ =	swait.ge [sflag:s8], $0x8000  }
0x81: {  	[sflag:s8] =	ssyncset.done $0x0  }
0x82: {  	[sflag:s8] =	ssyncadd.s32 $0xFFFF8000  }
0x83: {  	v3 =	vld [tilespmem:$0x20];
	_ =	sdelay $0x4  }
0x84: {  	v60 =	vshll.u32 v3, $0x3  }
0x85: {  	v3 =	vand.u32 $0x7, v3;
	v4 =	vand.u32 $0xFFFFFFC0, v60  }
0x86: {  	v3 =	vor.u32 v3, v4  }
0x87: {  	v4 =	vperm.xlane v3, v0;
	_ =	sdelay $0x1  }
0x88: {  	v4 =	vadd.s32 v1, v4;
	_ =	sdelay $0x4  }
0x89: {  	[tilespmem:s25], [sflag:$0x1] =	stream.indirect_vreg.gather [hbm4b:s3+s2], $0x80, v4, vm0, $0xb8;
	[tilespmem:$0x10100] =	vst v63  }
0x8a: {  	v3 =	vperm.xlane v3, v2  }
0x8b: {  	[tilespmem:s20], [sflag:$0x1] =	stream.indirect_vreg.gather [hbm4b:s4+s2], $0x80, v4, vm0, $0xb8;
	[tilespmem:$0x10100] =	vst v63  }
0x8c: {  	v3 =	vadd.s32 v1, v3  }
0x8d: {  	[tilespmem:s21], [sflag:$0x1] =	stream.indirect_vreg.gather [hbm4b:s5+s2], $0x80, v4, vm0, $0xb8;
	[tilespmem:$0x10100] =	vst v63  }
0x8e: {  	_ = 	snop  }
0x8f: {  	[tilespmem:s22], [sflag:$0x1] =	stream.indirect_vreg.gather [hbm4b:s6+s2], $0x80, v4, vm0, $0xb8;
	[tilespmem:$0x10100] =	vst v63  }
0x90: {  	_ = 	snop  }
0x91: {  	[tilespmem:s23], [sflag:$0x1] =	stream.indirect_vreg.gather [hbm4b:s3+s2], $0x80, v3, vm0, $0xb8;
	[tilespmem:$0x10100] =	vst v63  }
0x92: {  	_ = 	snop  }
0x93: {  	[tilespmem:s24], [sflag:$0x1] =	stream.indirect_vreg.gather [hbm4b:s4+s2], $0x80, v3, vm0, $0xb8;
	[tilespmem:$0x10100] =	vst v63  }
0x94: {  	_ = 	snop  }
0x95: {  	[tilespmem:s26], [sflag:$0x1] =	stream.indirect_vreg.gather [hbm4b:s5+s2], $0x80, v3, vm0, $0xb8;
	[tilespmem:$0x10100] =	vst v63  }
0x96: {  	_ = 	snop  }
0x97: {  	[tilespmem:s28], [sflag:$0x1] =	stream.indirect_vreg.gather [hbm4b:s6+s2], $0x80, v3, vm0, $0xb8;
	[tilespmem:$0x10100] =	vst v63  }
0x98: {  	v3 =	vld [tilespmem:$0x30];
	_ =	sdelay $0x4  }
0x99: {  	v61 =	vshll.u32 v3, $0x3  }
0x9a: {  	v3 =	vand.u32 $0x7, v3;
	v4 =	vand.u32 $0xFFFFFFC0, v61  }
0x9b: {  	v3 =	vor.u32 v3, v4  }
0x9c: {  	v4 =	vperm.xlane v3, v0;
	_ =	sdelay $0x1  }
0x9d: {  	v4 =	vadd.s32 v1, v4;
	_ =	sdelay $0x4  }
0x9e: {  	[tilespmem:s29], [sflag:$0x1] =	stream.indirect_vreg.gather [hbm4b:s3+s2], $0x80, v4, vm0, $0xb8;
	[tilespmem:$0x10100] =	vst v63  }
0x9f: {  	v3 =	vperm.xlane v3, v2  }
0xa0: {  	[tilespmem:s30], [sflag:$0x1] =	stream.indirect_vreg.gather [hbm4b:s4+s2], $0x80, v4, vm0, $0xb8;
	[tilespmem:$0x10100] =	vst v63  }
0xa1: {  	v3 =	vadd.s32 v1, v3  }
0xa2: {  	[tilespmem:s31], [sflag:$0x1] =	stream.indirect_vreg.gather [hbm4b:s5+s2], $0x80, v4, vm0, $0xb8;
	[tilespmem:$0x10100] =	vst v63  }
0xa3: {  	s20 =	simm.s32 $0x5900  }
0xa4: {  	[tilespmem:s20], [sflag:$0x1] =	stream.indirect_vreg.gather [hbm4b:s6+s2], $0x80, v4, vm0, $0xb8;
	[tilespmem:$0x10100] =	vst v63  }
0xa5: {  	_ = 	snop  }
0xa6: {  	[tilespmem:s1], [sflag:$0x1] =	stream.indirect_vreg.gather [hbm4b:s3+s2], $0x80, v3, vm0, $0xb8;
	[tilespmem:$0x10100] =	vst v63  }
0xa7: {  	_ = 	snop  }
0xa8: {  	[tilespmem:s10], [sflag:$0x1] =	stream.indirect_vreg.gather [hbm4b:s4+s2], $0x80, v3, vm0, $0xb8;
	[tilespmem:$0x10100] =	vst v63  }
0xa9: {  	_ = 	snop  }
0xaa: {  	[tilespmem:s11], [sflag:$0x1] =	stream.indirect_vreg.gather [hbm4b:s5+s2], $0x80, v3, vm0, $0xb8;
	[tilespmem:$0x10100] =	vst v63  }
0xab: {  	_ = 	snop  }
0xac: {  	[tilespmem:s12], [sflag:$0x1] =	stream.indirect_vreg.gather [hbm4b:s6+s2], $0x80, v3, vm0, $0xb8;
	[tilespmem:$0x10100] =	vst v63  }
0xad: {  	v3 =	vld [tilespmem:$0xA0];
	_ =	sdelay $0x4  }
0xae: {  	v62 =	vshll.u32 v3, $0x3  }
0xaf: {  	v3 =	vand.u32 $0x7, v3;
	v4 =	vand.u32 $0xFFFFFFC0, v62  }
0xb0: {  	v3 =	vor.u32 v3, v4  }
0xb1: {  	v4 =	vperm.xlane v3, v0;
	_ =	sdelay $0x1  }
0xb2: {  	v4 =	vadd.s32 v1, v4;
	_ =	sdelay $0x4  }
0xb3: {  	[tilespmem:s0], [sflag:$0x1] =	stream.indirect_vreg.gather [hbm4b:s3+s2], $0x80, v4, vm0, $0xb8;
	[tilespmem:$0x10100] =	vst v63  }
0xb4: {  	v3 =	vperm.xlane v3, v2  }
0xb5: {  	[tilespmem:s13], [sflag:$0x1] =	stream.indirect_vreg.gather [hbm4b:s4+s2], $0x80, v4, vm0, $0xb8;
	[tilespmem:$0x10100] =	vst v63  }
0xb6: {  	v3 =	vadd.s32 v1, v3  }
0xb7: {  	[tilespmem:s14], [sflag:$0x1] =	stream.indirect_vreg.gather [hbm4b:s5+s2], $0x80, v4, vm0, $0xb8;
	[tilespmem:$0x10100] =	vst v63  }
0xb8: {  	_ = 	snop  }
0xb9: {  	[tilespmem:s15], [sflag:$0x1] =	stream.indirect_vreg.gather [hbm4b:s6+s2], $0x80, v4, vm0, $0xb8;
	[tilespmem:$0x10100] =	vst v63  }
0xba: {  	_ = 	snop  }
0xbb: {  	[tilespmem:s16], [sflag:$0x1] =	stream.indirect_vreg.gather [hbm4b:s3+s2], $0x80, v3, vm0, $0xb8;
	[tilespmem:$0x10100] =	vst v63  }
0xbc: {  	_ = 	snop  }
0xbd: {  	[tilespmem:s17], [sflag:$0x1] =	stream.indirect_vreg.gather [hbm4b:s4+s2], $0x80, v3, vm0, $0xb8;
	[tilespmem:$0x10100] =	vst v63  }
0xbe: {  	_ = 	snop  }
0xbf: {  	[tilespmem:s9], [sflag:$0x1] =	stream.indirect_vreg.gather [hbm4b:s5+s2], $0x80, v3, vm0, $0xb8;
	[tilespmem:$0x10100] =	vst v63  }
0xc0: {  	s20 =	simm.s32 $0xB900  }
0xc1: {  	[tilespmem:s20], [sflag:$0x1] =	stream.indirect_vreg.gather [hbm4b:s6+s2], $0x80, v3, vm0, $0xb8;
	[tilespmem:$0x10100] =	vst v63  }
0xc2: {  	v3 =	vld [tilespmem:$0xB0];
	_ =	sdelay $0x4  }
0xc3: {  	v63 =	vshll.u32 v3, $0x3  }
0xc4: {  	v3 =	vand.u32 $0x7, v3;
	v4 =	vand.u32 $0xFFFFFFC0, v63  }
0xc5: {  	v3 =	vor.u32 v3, v4  }
0xc6: {  	v4 =	vperm.xlane v3, v0;
	_ =	sdelay $0x1  }
0xc7: {  	v4 =	vadd.s32 v1, v4;
	_ =	sdelay $0x3  }
0xc8: {  	s19 =	simm.s32 $0xC100  }
0xc9: {  	[tilespmem:s19], [sflag:$0x1] =	stream.indirect_vreg.gather [hbm4b:s3+s2], $0x80, v4, vm0, $0xb8;
	[tilespmem:$0x10100] =	vst v63  }
0xca: {  	s20 =	simm.s32 $0xC900;
	v3 =	vperm.xlane v3, v2  }
0xcb: {  	[tilespmem:s20], [sflag:$0x1] =	stream.indirect_vreg.gather [hbm4b:s4+s2], $0x80, v4, vm0, $0xb8;
	[tilespmem:$0x10100] =	vst v63  }
0xcc: {  	v3 =	vadd.s32 v1, v3;
	s19 =	simm.s32 $0xD100  }
0xcd: {  	[tilespmem:s19], [sflag:$0x1] =	stream.indirect_vreg.gather [hbm4b:s5+s2], $0x80, v4, vm0, $0xb8;
	[tilespmem:$0x10100] =	vst v63  }
0xce: {  	s20 =	simm.s32 $0xD900  }
0xcf: {  	[tilespmem:s20], [sflag:$0x1] =	stream.indirect_vreg.gather [hbm4b:s6+s2], $0x80, v4, vm0, $0xb8;
	[tilespmem:$0x10100] =	vst v63  }
0xd0: {  	s19 =	simm.s32 $0xE100  }
0xd1: {  	[tilespmem:s19], [sflag:$0x1] =	stream.indirect_vreg.gather [hbm4b:s3+s2], $0x80, v3, vm0, $0xb8;
	[tilespmem:$0x10100] =	vst v63  }
0xd2: {  	s20 =	simm.s32 $0xE900  }
0xd3: {  	[tilespmem:s20], [sflag:$0x1] =	stream.indirect_vreg.gather [hbm4b:s4+s2], $0x80, v3, vm0, $0xb8;
	[tilespmem:$0x10100] =	vst v63  }
0xd4: {  	s19 =	simm.s32 $0xF100  }
0xd5: {  	[tilespmem:s19], [sflag:$0x1] =	stream.indirect_vreg.gather [hbm4b:s5+s2], $0x80, v3, vm0, $0xb8;
	[tilespmem:$0x10100] =	vst v63  }
0xd6: {  	s20 =	simm.s32 $0xF900  }
0xd7: {  	[tilespmem:s20], [sflag:$0x1] =	stream.indirect_vreg.gather [hbm4b:s6+s2], $0x80, v3, vm0, $0xb8;
	[tilespmem:$0x10100] =	vst v63  }
0xd8: {  	_ =	swait.ge [sflag:s18], $0x8000  }
0xd9: {  	[sflag:s18] =	ssyncset.done $0x0  }
0xda: {  	s1 =	rddreg [dreg:$0x7];
	[sflag:s18] =	ssyncadd.s32 $0xFFFF8000  }
0xdb: {  	[hbm4b:s1+s2] =	stream.linear.scatter [tilespmem:s25], [sflag:$0x2], $0x8000, $0x38;
	[tilespmem:$0x10100] =	vst v63  }
0xdc: {  	_ =	swait.ge [sflag:s8], $0x8000  }
0xdd: {  	[sflag:s8] =	ssyncset.done $0x0  }
0xde: {  	[sflag:s8] =	ssyncadd.s32 $0xFFFF8000  }
0xdf: {  	_ =	swait.ge [sflag:s18], $0x8000  }
0xe0: {  	p0 =	sne.s32 s7, $0x1;
	[sflag:s18] =	ssyncset.done $0x0  }
.Ltmp0:
0xe1: {  	s20 =	rddreg [dreg:$0x8];
	[sflag:s18] =	ssyncadd.s32 $0xFFFF8000;
	(pc) =	sbr.rel @p0 .LBB2_1-.Ltmp0, $4  }
0xe2: {  	[hbm4b:s20+s2] =	stream.linear.scatter [tilespmem:s0], [sflag:$0x2], $0x8000, $0x38;
	[tilespmem:$0x10100] =	vst v63  }
0xe3: {  	_ =	swait.ge [sflag:s8], $0x8000  }
0xe4: {  	[sflag:s8] =	ssyncset.done $0x0  }
0xe5: {  	s7 =	sadd.s32 $0xFFFFFFFF, s7;
	[sflag:s8] =	ssyncadd.s32 $0xFFFF8000  }
0xe6: {  	_ =	sfence.sel $0x180000  }
0xe7: {  	[bflag:$0x0] =	sbarrier.arrive $0xFFFF  }
0xe8: {  	_ =	strace $0x9000004A  }
0xe9: {  	s0 =	stileid.u32;
	[bflag:$0x2] =	sbarrier.arrive $0xFFFF  }
0xea: {  	p0 =	sne.s32 s0, $0x0;
	s0 =	rddreg [dreg:$0x2]  }
0xeb: {  	s0 =	sadd.s32 @!p0 $0x100000, s0  }
0xec: {  	[sflag:s0] =	ssyncadd.tile.s32 @!p0 $0x1;
	_ =	shalt  }
.Lfunc_end2:
_tile_overlayer_lowered:
.L_overlay_start_2:
0xed: {  	(tag) =	ssettag $0x2  }
0xee: {  	s0 =	rddreg [dreg:$0x0];
	s2 =	stileid.u32  }
0xef: {  	s1 =	rddreg [dreg:$0x1];
	p0 =	sne.s32 s2, $0x0  }
0xf0: {  	s3 =	rddreg [dreg:$0x2];
	[bflag:$0x3] =	sbarrier.arrive $0xFFFF;
	s2 =	simm.s32 @!p0 $0x1C02  }
0xf1: {  	[timem:s3], [sflag:s2] =	dma.local @!p0 [hbm:s0], s1  }
0xf2: {  	s0 =	simm.s32 @!p0 $0x2  }
0xf3: {  	_ =	swait.ge @!p0 [sflag:s0], s1  }
0xf4: {  	s1 =	ssub.s32 @!p0 $0x0, s1;
	[sflag:s0] =	ssyncset.done @!p0 $0x0  }
0xf5: {  	[sflag:s0] =	ssyncadd.s32 @!p0 s1  }
0xf6: {  	[bflag:$0x3] =	sbarrier.arrive $0xFFFF  }
0xf7: {  	_ =	shalt  }

</sc_bundles>
